<compile_context>
chip_gen: v7x
topology: tpu7x:2x2x1
jax: 0.10.2.dev20260603
libtpu: 0.0.44.dev20260713+nightly
codegen_flags: <defaults>
</compile_context>

<pallas_src>
import functools

import jax
import jax.numpy as jnp
from jax import lax
from jax.experimental import pallas as pl
from jax.experimental.pallas import tpu as pltpu
from jax.experimental.pallas import tpu_sc as plsc

B = 32
C = 3
H = 384
WI = 384
P = 16
NS = 24
NP_ = NS * NS
D = 768
IN_FEAT = P * P * C
LEN_KEEP = 144
RPP = C * P
RPB = LEN_KEEP * RPP
IDX_MINOR = 128
N_CHUNK = RPB // IDX_MINOR
POS_CHUNK = 72


def _patch_hw_rows():
    j = lax.broadcasted_iota(jnp.int32, (1, NP_), 1)
    return (j // NS).astype(jnp.float32), (j % NS).astype(jnp.float32)


def _snap_cols(b4):
    s = jnp.round(b4 * float(NS)) / float(NS)
    x0 = jnp.clip(s[:, 0:1], 0.0, 1.0 - 1.0 / NS)
    y0 = jnp.clip(s[:, 1:2], 0.0, 1.0 - 1.0 / NS)
    x1 = jnp.clip(jnp.maximum(s[:, 2:3], x0 + 1.0 / NS), 0.0, 1.0)
    y1 = jnp.clip(jnp.maximum(s[:, 3:4], y0 + 1.0 / NS), 0.0, 1.0)
    return x0, y0, x1, y1


def _a_body(n3_ref, bb3_ref, fb3_ref, img_ref, restore_ref, mask_ref,
            keep_ref, pos_ref, rix_ref, face_ref, lin_ref):
    b = pl.program_id(0)
    lin_ref[...] = img_ref[...].reshape(C * H * WI // 128, 128)
    bbr = bb3_ref[0]
    fbr = fb3_ref[0]
    x0, y0, x1, y1 = _snap_cols(bbr)
    bw = x1 - x0
    bh = y1 - y0
    f0 = (fbr[:, 0:1] - x0) / bw
    f1 = (fbr[:, 1:2] - y0) / bh
    f2 = (fbr[:, 2:3] - x0) / bw
    f3 = (fbr[:, 3:4] - y0) / bh
    fcl = jnp.clip(jnp.concatenate([f0, f1, f2, f3], axis=1), 0.0, 1.0)
    g0, g1, g2, g3 = _snap_cols(fcl)
    face_ref[...] = jnp.concatenate(
        [g0 * bw + x0, g1 * bh + y0, g2 * bw + x0, g3 * bh + y0], axis=1)[None]
    yb, xb = _patch_hw_rows()
    gx = (xb + 0.5) / NS
    gy = (yb + 0.5) / NS
    in_x = (gx >= x0) & (gx < x1)
    in_y = (gy >= y0) & (gy < y1)
    mx = jnp.clip(jnp.floor((gx - x0) / bw * NS), 0.0, float(NS - 1))
    my = jnp.clip(jnp.floor((gy - y0) / bh * NS), 0.0, float(NS - 1))
    ix = jnp.where(in_x, mx, xb)
    iy = jnp.where(in_y, my, yb)
    flat_row = iy * float(NS) + ix
    nrow = n3_ref[0]
    ncol = jnp.swapaxes(nrow, 0, 1)
    ilt = (lax.broadcasted_iota(jnp.int32, (NP_, NP_), 0)
           < lax.broadcasted_iota(jnp.int32, (NP_, NP_), 1))
    lt = ncol < nrow
    eq = ncol == nrow
    cmpf = (lt | (eq & ilt)).astype(jnp.float32)
    rank_row = jnp.sum(cmpf, axis=0, keepdims=True)
    restore_ref[...] = rank_row.astype(jnp.int32)[None]
    mask_ref[...] = (rank_row >= float(LEN_KEEP)).astype(jnp.float32)[None]
    r_iota = lax.broadcasted_iota(jnp.int32, (LEN_KEEP, NP_), 0
                                  ).astype(jnp.float32)
    m3 = (r_iota == rank_row).astype(jnp.float32)
    j_row = lax.broadcasted_iota(jnp.int32, (1, NP_), 1).astype(jnp.float32)
    h_row, w_row = _patch_hw_rows()
    keep_col = jnp.sum(m3 * j_row, axis=1, keepdims=True)
    pos_col = jnp.sum(m3 * flat_row, axis=1, keepdims=True)
    h_col = jnp.sum(m3 * h_row, axis=1, keepdims=True)
    w_col = jnp.sum(m3 * w_row, axis=1, keepdims=True)
    keep_ref[...] = keep_col.astype(jnp.int32)[None]
    pos_ref[...] = pos_col.astype(jnp.int32)[None]
    cp = lax.broadcasted_iota(jnp.int32, (1, RPP), 1)
    base48 = ((cp // P) * (H * NS) + (cp % P) * NS).astype(jnp.float32)
    rix = (h_col * float(P * NS) + w_col + base48
           ).astype(jnp.int32) + b * (C * H * NS)
    rix_ref[...] = rix[None]


_a = pl.pallas_call(
    _a_body,
    grid=(B,),
    in_specs=[pl.BlockSpec((1, 1, NP_), lambda b: (b, 0, 0)),
              pl.BlockSpec((1, 1, 4), lambda b: (b, 0, 0)),
              pl.BlockSpec((1, 1, 4), lambda b: (b, 0, 0)),
              pl.BlockSpec((1, C, H, WI), lambda b: (b, 0, 0, 0))],
    out_specs=[pl.BlockSpec((1, 1, NP_), lambda b: (b, 0, 0)),
               pl.BlockSpec((1, 1, NP_), lambda b: (b, 0, 0)),
               pl.BlockSpec((1, LEN_KEEP, 1), lambda b: (b, 0, 0)),
               pl.BlockSpec((1, LEN_KEEP, 1), lambda b: (b, 0, 0)),
               pl.BlockSpec((1, LEN_KEEP, RPP), lambda b: (b, 0, 0)),
               pl.BlockSpec((1, 1, 4), lambda b: (b, 0, 0)),
               pl.BlockSpec((C * H * WI // 128, 128), lambda b: (b, 0))],
    out_shape=(jax.ShapeDtypeStruct((B, 1, NP_), jnp.int32),
               jax.ShapeDtypeStruct((B, 1, NP_), jnp.float32),
               jax.ShapeDtypeStruct((B, LEN_KEEP, 1), jnp.int32),
               jax.ShapeDtypeStruct((B, LEN_KEEP, 1), jnp.int32),
               jax.ShapeDtypeStruct((B, LEN_KEEP, RPP), jnp.int32),
               jax.ShapeDtypeStruct((B, 1, 4), jnp.float32),
               jax.ShapeDtypeStruct((B * C * H * WI // 128, 128),
                                    jnp.float32)),
)


_NC = 2


@functools.lru_cache(maxsize=None)
def _sc_kernels():
    mesh = plsc.VectorSubcoreMesh(core_axis_name="c", subcore_axis_name="s")

    @functools.partial(
        pl.kernel,
        out_type=jax.ShapeDtypeStruct((B, RPB, P), jnp.float32),
        mesh=mesh,
        scratch_types=[pltpu.VMEM((N_CHUNK, IDX_MINOR), jnp.int32),
                       pltpu.VMEM((RPB, P), jnp.float32),
                       pltpu.SemaphoreType.DMA],
        compiler_params=pltpu.CompilerParams(use_tc_tiling_on_sc=False),
    )
    def patch_gather(img_hbm, rix_hbm, outx_hbm, idx_v, xbuf_v, sem):
        b = lax.axis_index("s") * _NC + lax.axis_index("c")
        pltpu.sync_copy(rix_hbm.at[b], idx_v)
        GRPS = 2
        PER = 27

        def grp(g, carry):
            descs = []
            for t in range(PER):
                j = g * PER + t
                descs.append(pltpu.async_copy(
                    img_hbm.at[idx_v.at[j]],
                    xbuf_v.at[pl.ds(j * IDX_MINOR, IDX_MINOR)], sem))
            for d in descs:
                d.wait()
            return carry

        lax.fori_loop(0, GRPS, grp, 0)
        pltpu.sync_copy(xbuf_v, outx_hbm.at[b])

    @functools.partial(
        pl.kernel,
        out_type=jax.ShapeDtypeStruct((B, LEN_KEEP, D), jnp.float32),
        mesh=mesh,
        scratch_types=[pltpu.VMEM((2, POS_CHUNK), jnp.int32),
                       pltpu.VMEM((LEN_KEEP, D), jnp.float32),
                       pltpu.SemaphoreType.DMA],
    )
    def pos_gather(tab_hbm, pid_hbm, outp_hbm, pidx_v, pbuf_v, sem):
        b = lax.axis_index("s") * _NC + lax.axis_index("c")
        pltpu.sync_copy(pid_hbm.at[b], pidx_v)
        d0 = pltpu.async_copy(tab_hbm.at[pidx_v.at[0]],
                              pbuf_v.at[pl.ds(0, POS_CHUNK)], sem)
        d1 = pltpu.async_copy(tab_hbm.at[pidx_v.at[1]],
                              pbuf_v.at[pl.ds(POS_CHUNK, POS_CHUNK)], sem)
        d0.wait()
        d1.wait()
        pltpu.sync_copy(pbuf_v, outp_hbm.at[b])

    return patch_gather, pos_gather


_KSPLIT = IN_FEAT // 128


def _mm_body(x_ref, w_ref, bias_ref, o_ref):
    x2 = x_ref[...].astype(jnp.bfloat16).reshape(_MM_BM, IN_FEAT)
    o_ref[...] = jnp.dot(x2, w_ref[...].reshape(IN_FEAT, D),
                         preferred_element_type=jnp.float32) + bias_ref[...]


_MM_BM = 1536
_mm = pl.pallas_call(
    _mm_body,
    grid=(B * LEN_KEEP // _MM_BM,),
    in_specs=[pl.BlockSpec((_MM_BM * _KSPLIT, 128), lambda i: (i, 0)),
              pl.BlockSpec((_KSPLIT, 128, D), lambda i: (0, 0, 0)),
              pl.BlockSpec((1, D), lambda i: (0, 0))],
    out_specs=pl.BlockSpec((_MM_BM, D), lambda i: (i, 0)),
    out_shape=jax.ShapeDtypeStruct((B * LEN_KEEP, D), jnp.float32),
)


def kernel(images, ldmks, body_bboxes, face_bboxes, noise, W_embed, b_embed,
           square_pos_embed, pos_cls_embed):
    del ldmks
    restore3, mask3, keep3, pos3, rix3, face3, img_lin = _a(
        noise.reshape(B, 1, NP_), body_bboxes.reshape(B, 1, 4),
        face_bboxes.reshape(B, 1, 4), images)
    ids_restore = restore3.reshape(B, NP_)
    mask = mask3.reshape(B, NP_)
    ids_keep = keep3.reshape(B, LEN_KEEP)
    face = face3.reshape(B, 4)
    pos_idx = pos3.reshape(B, 2, POS_CHUNK)
    rix = rix3.reshape(B, N_CHUNK, IDX_MINOR)
    img_rows = img_lin.reshape(B * C * H * NS, P)
    patch_gather, pos_gather = _sc_kernels()
    xg = patch_gather(img_rows, rix)
    pos_embed_masked = pos_gather(square_pos_embed, pos_idx)
    Wp = W_embed.reshape(P, P, C, D).transpose(2, 0, 1, 3).reshape(IN_FEAT, D)
    W6 = Wp.astype(jnp.bfloat16).reshape(_KSPLIT, 128, D)
    x = _mm(xg.reshape(B * LEN_KEEP * _KSPLIT, 128), W6, b_embed.reshape(1, D))
    x = x.reshape(B, LEN_KEEP, D)
    full_imp = jnp.ones((B, NP_), jnp.float32)
    imp_masked = jnp.ones((B, LEN_KEEP), jnp.float32)
    return (x, mask, pos_embed_masked, pos_cls_embed, imp_masked,
            full_imp, ids_keep, ids_restore, square_pos_embed, face)

# --- scband reference (transcript-rebuilt; emitter-appended) ---
"""Pipeline reference for scband-dynamic-pather-1022202216868 (READ-ONLY COPY).

The authoritative reference and input builder live on the scoring server;
editing this copy changes nothing except your own understanding.
"""

import jax, jax.numpy as jnp
import numpy as np

B = 32
C = 3
H = 384
W = 384
P = 16
NS = H // P          # 24
NP = NS * NS         # 576
D = 768
IN_FEAT = P * P * C  # 768
MASK_RATIO = 0.75
LEN_KEEP = int(NP * (1.0 - MASK_RATIO))  # 144


def setup_inputs(seed: int = 0) -> dict:
    key = jax.random.key(seed)
    ks = jax.random.split(key, 10)
    images = jax.random.normal(ks[0], (B, C, H, W), dtype=jnp.float32)
    ldmks = jax.random.uniform(ks[1], (B, 68, 2), dtype=jnp.float32)
    r = jax.random.uniform(ks[2], (B, 4), dtype=jnp.float32)
    x0 = r[:, 0] * 0.3
    y0 = r[:, 1] * 0.3
    x1 = x0 + 0.4 + r[:, 2] * 0.25
    y1 = y0 + 0.4 + r[:, 3] * 0.25
    body_bboxes = jnp.stack([x0, y0, x1, y1], axis=-1)
    r2 = jax.random.uniform(ks[3], (B, 4), dtype=jnp.float32)
    bw = x1 - x0
    bh = y1 - y0
    fx0 = x0 + (0.15 + 0.1 * r2[:, 0]) * bw
    fy0 = y0 + (0.05 + 0.1 * r2[:, 1]) * bh
    fx1 = fx0 + (0.3 + 0.1 * r2[:, 2]) * bw
    fy1 = fy0 + (0.3 + 0.1 * r2[:, 3]) * bh
    face_bboxes = jnp.stack([fx0, fy0, fx1, fy1], axis=-1)
    noise = jax.random.uniform(ks[4], (B, NP), dtype=jnp.float32)
    W_embed = jax.random.normal(ks[5], (IN_FEAT, D), dtype=jnp.float32) * 0.02
    b_embed = jnp.zeros((D,), dtype=jnp.float32)
    square_pos_embed = jax.random.normal(ks[6], (NP, D), dtype=jnp.float32) * 0.02
    pos_cls_embed = jax.random.normal(ks[7], (1, D), dtype=jnp.float32) * 0.02
    return {
        'images': images,
        'ldmks': ldmks,
        'body_bboxes': body_bboxes,
        'face_bboxes': face_bboxes,
        'noise': noise,
        'W_embed': W_embed,
        'b_embed': b_embed,
        'square_pos_embed': square_pos_embed,
        'pos_cls_embed': pos_cls_embed,
    }


def _snap_bbox(b):
    # snap normalized xyxy bbox to patch grid, min size one patch
    s = jnp.round(b * NS) / NS
    x0 = jnp.clip(s[:, 0], 0.0, 1.0 - 1.0 / NS)
    y0 = jnp.clip(s[:, 1], 0.0, 1.0 - 1.0 / NS)
    x1 = jnp.clip(jnp.maximum(s[:, 2], x0 + 1.0 / NS), 0.0, 1.0)
    y1 = jnp.clip(jnp.maximum(s[:, 3], y0 + 1.0 / NS), 0.0, 1.0)
    return jnp.stack([x0, y0, x1, y1], axis=-1)


def _patchify(images):
    x = images.reshape(B, C, NS, P, NS, P)
    x = jnp.transpose(x, (0, 2, 4, 3, 5, 1))  # B, h, w, p, p, c
    return x.reshape(B, NP, P * P * C)


def _dynamic_pos_embed(square_pos_embed, body_bboxes):
    # remap pos embed grid: patches inside body bbox sample a rescaled grid
    grid = (jnp.arange(NS, dtype=jnp.float32) + 0.5) / NS  # [NS]
    x0, y0, x1, y1 = body_bboxes[:, 0], body_bboxes[:, 1], body_bboxes[:, 2], body_bboxes[:, 3]
    bw = x1 - x0
    bh = y1 - y0
    base = jnp.arange(NS, dtype=jnp.int32)
    in_x = (grid[None, :] >= x0[:, None]) & (grid[None, :] < x1[:, None])  # [B, NS]
    in_y = (grid[None, :] >= y0[:, None]) & (grid[None, :] < y1[:, None])
    mx = jnp.clip(jnp.floor((grid[None, :] - x0[:, None]) / bw[:, None] * NS), 0, NS - 1).astype(jnp.int32)
    my = jnp.clip(jnp.floor((grid[None, :] - y0[:, None]) / bh[:, None] * NS), 0, NS - 1).astype(jnp.int32)
    idx_x = jnp.where(in_x, mx, base[None, :])  # [B, NS]
    idx_y = jnp.where(in_y, my, base[None, :])
    flat_idx = idx_y[:, :, None] * NS + idx_x[:, None, :]  # [B, NS, NS]
    flat_idx = flat_idx.reshape(B, NP)
    return jnp.take(square_pos_embed, flat_idx, axis=0)  # [B, NP, D]


def reference(images, ldmks, body_bboxes, face_bboxes, noise, W_embed, b_embed, square_pos_embed, pos_cls_embed):
    # patchify images into base patches
    patches = _patchify(images)  # [B, NP, IN_FEAT]
    # bbox snapping / warping pipeline
    bb = _snap_bbox(body_bboxes)
    bw = bb[:, 2] - bb[:, 0]
    bh = bb[:, 3] - bb[:, 1]
    fb = jnp.stack([
        (face_bboxes[:, 0] - bb[:, 0]) / bw,
        (face_bboxes[:, 1] - bb[:, 1]) / bh,
        (face_bboxes[:, 2] - bb[:, 0]) / bw,
        (face_bboxes[:, 3] - bb[:, 1]) / bh,
    ], axis=-1)
    fb = _snap_bbox(jnp.clip(fb, 0.0, 1.0))
    face = jnp.stack([
        fb[:, 0] * bw + bb[:, 0],
        fb[:, 1] * bh + bb[:, 1],
        fb[:, 2] * bw + bb[:, 0],
        fb[:, 3] * bh + bb[:, 1],
    ], axis=-1)
    # dynamic positional embedding via grid remap gather
    dyn_pos = _dynamic_pos_embed(square_pos_embed, bb)  # [B, NP, D]
    full_importance_mask = jnp.ones((B, NP), dtype=jnp.float32)
    # masked sampling (random shuffle, keep subset) -- eval mode, noise provided
    ids_shuffle = jnp.argsort(noise, axis=1)
    ids_restore = jnp.argsort(ids_shuffle, axis=1)
    ids_keep = ids_shuffle[:, :LEN_KEEP]
    x_masked = jnp.take_along_axis(patches, ids_keep[:, :, None], axis=1)  # [B, LEN_KEEP, IN_FEAT]
    pos_embed_masked = jnp.take_along_axis(dyn_pos, ids_keep[:, :, None], axis=1)
    imp_mask_masked = jnp.take_along_axis(full_importance_mask, ids_keep, axis=1)
    mask = jnp.ones((B, NP), dtype=jnp.float32).at[:, :LEN_KEEP].set(0.0)
    mask = jnp.take_along_axis(mask, ids_restore, axis=1)
    # patch embedding (linear)
    x = x_masked @ W_embed + b_embed
    return (x, mask, pos_embed_masked, pos_cls_embed, imp_mask_masked,
            full_importance_mask, ids_keep, ids_restore, square_pos_embed, face)

if __name__ == "__main__":
    import jax
    _d = setup_inputs()
    print(jax.jit(kernel)(*tuple(_d.values())))

</pallas_src>

<mosaic_0001>
#map = affine_map<(d0, d1) -> (0, 0)>
#map1 = affine_map<(d0, d1) -> (0, 0, 0)>
module attributes {stable_mosaic.version = 14 : i64} {
  func.func @pos_gather(%arg0: i32, %arg1: i32, %arg2: memref<576x768xf32, #tpu.memory_space<hbm>>, %arg3: memref<32x2x72xi32, #tpu.memory_space<hbm>>, %arg4: memref<32x144x768xf32, #tpu.memory_space<hbm>>, %arg5: memref<2x72xi32, #tpu.memory_space<vmem>>, %arg6: memref<144x768xf32, #tpu.memory_space<vmem>>, %arg7: memref<!tpu.dma_semaphore, #tpu.memory_space<semaphore_mem>>) attributes {dimension_semantics = [#tpu.dimension_semantics<core_parallel>, #tpu.dimension_semantics<subcore_parallel>], iteration_bounds = array<i64: 2, 16>, scalar_prefetch = 0 : i64, scratch_operands = 3 : i64, tpu.core_type = #tpu.core_type<sc_vector_subcore>, window_params = [{transform_indices = #map}, {transform_indices = #map1}, {transform_indices = #map1}]} {
    %mul3A = arith.constant 2 : i32
    %mul3A_0 = arith.muli %arg1, %mul3A : i32
    %add3A = arith.addi %mul3A_0, %arg0 : i32
    "tpu.region"() ({
      %run_scoped3A = tpu.sem_alloc : memref<!tpu.dma_semaphore, #tpu.memory_space<semaphore_mem>>
      %dma_start3A_39 = arith.constant 0 : i32
      %dma_start3A_40 = arith.constant 0 : i32
      %dma_start3A_41 = tpu.memref_slice %arg3[%add3A, %dma_start3A_39, %dma_start3A_40] : memref<32x2x72xi32, #tpu.memory_space<hbm>> -> memref<1x2x72xi32, #tpu.memory_space<hbm>>
      %dma_start3A_42 = tpu.memref_squeeze %dma_start3A_41 : memref<1x2x72xi32, #tpu.memory_space<hbm>> -> memref<2x72xi32, #tpu.memory_space<hbm>>
      %dma_start3A_43 = arith.constant 0 : i32
      %dma_start3A_44 = arith.constant 0 : i32
      %dma_start3A_45 = tpu.memref_slice %arg3[%add3A, %dma_start3A_43, %dma_start3A_44] : memref<32x2x72xi32, #tpu.memory_space<hbm>> -> memref<1x2x72xi32, #tpu.memory_space<hbm>>
      %dma_start3A_46 = tpu.memref_squeeze %dma_start3A_45 : memref<1x2x72xi32, #tpu.memory_space<hbm>> -> memref<2x72xi32, #tpu.memory_space<hbm>>
      tpu.enqueue_dma source(%dma_start3A_46 : memref<2x72xi32, #tpu.memory_space<hbm>>) target(%arg5 : memref<2x72xi32, #tpu.memory_space<vmem>>) target_semaphore(%run_scoped3A : memref<!tpu.dma_semaphore, #tpu.memory_space<semaphore_mem>>)
      %dma_wait3A_47 = arith.constant 0 : i32
      %dma_wait3A_48 = arith.constant 0 : i32
      %dma_wait3A_49 = tpu.memref_slice %arg3[%add3A, %dma_wait3A_47, %dma_wait3A_48] : memref<32x2x72xi32, #tpu.memory_space<hbm>> -> memref<1x2x72xi32, #tpu.memory_space<hbm>>
      %dma_wait3A_50 = tpu.memref_squeeze %dma_wait3A_49 : memref<1x2x72xi32, #tpu.memory_space<hbm>> -> memref<2x72xi32, #tpu.memory_space<hbm>>
      %dma_wait3A_51 = arith.constant 0 : i32
      %dma_wait3A_52 = arith.constant 0 : i32
      %dma_wait3A_53 = tpu.memref_slice %arg3[%add3A, %dma_wait3A_51, %dma_wait3A_52] : memref<32x2x72xi32, #tpu.memory_space<hbm>> -> memref<1x2x72xi32, #tpu.memory_space<hbm>>
      %dma_wait3A_54 = tpu.memref_squeeze %dma_wait3A_53 : memref<1x2x72xi32, #tpu.memory_space<hbm>> -> memref<2x72xi32, #tpu.memory_space<hbm>>
      tpu.wait_dma2 semaphore(%run_scoped3A : memref<!tpu.dma_semaphore, #tpu.memory_space<semaphore_mem>>) src(%dma_wait3A_54 : memref<2x72xi32, #tpu.memory_space<hbm>>) dst(%arg5 : memref<2x72xi32, #tpu.memory_space<vmem>>)
      tpu.yield
    }) : () -> ()
    %dma_start3A = arith.constant 0 : i32
    %dma_start3A_1 = arith.constant 0 : i32
    %dma_start3A_2 = arith.constant 0 : i32
    %dma_start3A_3 = tpu.memref_slice %arg6[%dma_start3A_1, %dma_start3A_2] : memref<144x768xf32, #tpu.memory_space<vmem>> -> memref<72x768xf32, #tpu.memory_space<vmem>>
    %dma_start3A_4 = arith.constant 0 : i32
    %dma_start3A_5 = tpu.memref_slice %arg5[%dma_start3A, %dma_start3A_4] : memref<2x72xi32, #tpu.memory_space<vmem>> -> memref<1x72xi32, #tpu.memory_space<vmem>>
    %dma_start3A_6 = tpu.memref_squeeze %dma_start3A_5 : memref<1x72xi32, #tpu.memory_space<vmem>> -> memref<72xi32, #tpu.memory_space<vmem>>
    %dma_start3A_7 = arith.constant 0 : i32
    %dma_start3A_8 = arith.constant 0 : i32
    %dma_start3A_9 = tpu.memref_slice %arg2[%dma_start3A_7, %dma_start3A_8] : memref<576x768xf32, #tpu.memory_space<hbm>> -> memref<576x768xf32, #tpu.memory_space<hbm>>
    tpu.enqueue_indirect_dma source(%dma_start3A_9 : memref<576x768xf32, #tpu.memory_space<hbm>>) target(%dma_start3A_3 : memref<72x768xf32, #tpu.memory_space<vmem>>) offsets(%dma_start3A_6 : memref<72xi32, #tpu.memory_space<vmem>>) semaphore(%arg7 : memref<!tpu.dma_semaphore, #tpu.memory_space<semaphore_mem>>)
    %dma_start3A_10 = arith.constant 1 : i32
    %dma_start3A_11 = arith.constant 72 : i32
    %dma_start3A_12 = arith.constant 0 : i32
    %dma_start3A_13 = tpu.memref_slice %arg6[%dma_start3A_11, %dma_start3A_12] : memref<144x768xf32, #tpu.memory_space<vmem>> -> memref<72x768xf32, #tpu.memory_space<vmem>>
    %dma_start3A_14 = arith.constant 0 : i32
    %dma_start3A_15 = tpu.memref_slice %arg5[%dma_start3A_10, %dma_start3A_14] : memref<2x72xi32, #tpu.memory_space<vmem>> -> memref<1x72xi32, #tpu.memory_space<vmem>>
    %dma_start3A_16 = tpu.memref_squeeze %dma_start3A_15 : memref<1x72xi32, #tpu.memory_space<vmem>> -> memref<72xi32, #tpu.memory_space<vmem>>
    %dma_start3A_17 = arith.constant 0 : i32
    %dma_start3A_18 = arith.constant 0 : i32
    %dma_start3A_19 = tpu.memref_slice %arg2[%dma_start3A_17, %dma_start3A_18] : memref<576x768xf32, #tpu.memory_space<hbm>> -> memref<576x768xf32, #tpu.memory_space<hbm>>
    tpu.enqueue_indirect_dma source(%dma_start3A_19 : memref<576x768xf32, #tpu.memory_space<hbm>>) target(%dma_start3A_13 : memref<72x768xf32, #tpu.memory_space<vmem>>) offsets(%dma_start3A_16 : memref<72xi32, #tpu.memory_space<vmem>>) semaphore(%arg7 : memref<!tpu.dma_semaphore, #tpu.memory_space<semaphore_mem>>)
    %dma_wait3A = arith.constant 0 : i32
    %dma_wait3A_20 = arith.constant 0 : i32
    %dma_wait3A_21 = arith.constant 0 : i32
    %dma_wait3A_22 = tpu.memref_slice %arg6[%dma_wait3A_20, %dma_wait3A_21] : memref<144x768xf32, #tpu.memory_space<vmem>> -> memref<72x768xf32, #tpu.memory_space<vmem>>
    %dma_wait3A_23 = arith.constant 0 : i32
    %dma_wait3A_24 = tpu.memref_slice %arg5[%dma_wait3A, %dma_wait3A_23] : memref<2x72xi32, #tpu.memory_space<vmem>> -> memref<1x72xi32, #tpu.memory_space<vmem>>
    %dma_wait3A_25 = tpu.memref_squeeze %dma_wait3A_24 : memref<1x72xi32, #tpu.memory_space<vmem>> -> memref<72xi32, #tpu.memory_space<vmem>>
    %dma_wait3A_26 = arith.constant 0 : i32
    %dma_wait3A_27 = arith.constant 0 : i32
    %dma_wait3A_28 = tpu.memref_slice %arg2[%dma_wait3A_26, %dma_wait3A_27] : memref<576x768xf32, #tpu.memory_space<hbm>> -> memref<576x768xf32, #tpu.memory_space<hbm>>
    tpu.wait_indirect_dma semaphore(%arg7 : memref<!tpu.dma_semaphore, #tpu.memory_space<semaphore_mem>>) src(%dma_wait3A_28 : memref<576x768xf32, #tpu.memory_space<hbm>>) dst(%dma_wait3A_22 : memref<72x768xf32, #tpu.memory_space<vmem>>)
    %dma_wait3A_29 = arith.constant 1 : i32
    %dma_wait3A_30 = arith.constant 72 : i32
    %dma_wait3A_31 = arith.constant 0 : i32
    %dma_wait3A_32 = tpu.memref_slice %arg6[%dma_wait3A_30, %dma_wait3A_31] : memref<144x768xf32, #tpu.memory_space<vmem>> -> memref<72x768xf32, #tpu.memory_space<vmem>>
    %dma_wait3A_33 = arith.constant 0 : i32
    %dma_wait3A_34 = tpu.memref_slice %arg5[%dma_wait3A_29, %dma_wait3A_33] : memref<2x72xi32, #tpu.memory_space<vmem>> -> memref<1x72xi32, #tpu.memory_space<vmem>>
    %dma_wait3A_35 = tpu.memref_squeeze %dma_wait3A_34 : memref<1x72xi32, #tpu.memory_space<vmem>> -> memref<72xi32, #tpu.memory_space<vmem>>
    %dma_wait3A_36 = arith.constant 0 : i32
    %dma_wait3A_37 = arith.constant 0 : i32
    %dma_wait3A_38 = tpu.memref_slice %arg2[%dma_wait3A_36, %dma_wait3A_37] : memref<576x768xf32, #tpu.memory_space<hbm>> -> memref<576x768xf32, #tpu.memory_space<hbm>>
    tpu.wait_indirect_dma semaphore(%arg7 : memref<!tpu.dma_semaphore, #tpu.memory_space<semaphore_mem>>) src(%dma_wait3A_38 : memref<576x768xf32, #tpu.memory_space<hbm>>) dst(%dma_wait3A_32 : memref<72x768xf32, #tpu.memory_space<vmem>>)
    "tpu.region"() ({
      %run_scoped3A = tpu.sem_alloc : memref<!tpu.dma_semaphore, #tpu.memory_space<semaphore_mem>>
      %dma_start3A_39 = arith.constant 0 : i32
      %dma_start3A_40 = arith.constant 0 : i32
      %dma_start3A_41 = tpu.memref_slice %arg4[%add3A, %dma_start3A_39, %dma_start3A_40] : memref<32x144x768xf32, #tpu.memory_space<hbm>> -> memref<1x144x768xf32, #tpu.memory_space<hbm>>
      %dma_start3A_42 = tpu.memref_squeeze %dma_start3A_41 : memref<1x144x768xf32, #tpu.memory_space<hbm>> -> memref<144x768xf32, #tpu.memory_space<hbm>>
      %dma_start3A_43 = arith.constant 0 : i32
      %dma_start3A_44 = arith.constant 0 : i32
      %dma_start3A_45 = tpu.memref_slice %arg4[%add3A, %dma_start3A_43, %dma_start3A_44] : memref<32x144x768xf32, #tpu.memory_space<hbm>> -> memref<1x144x768xf32, #tpu.memory_space<hbm>>
      %dma_start3A_46 = tpu.memref_squeeze %dma_start3A_45 : memref<1x144x768xf32, #tpu.memory_space<hbm>> -> memref<144x768xf32, #tpu.memory_space<hbm>>
      tpu.enqueue_dma source(%arg6 : memref<144x768xf32, #tpu.memory_space<vmem>>) target(%dma_start3A_46 : memref<144x768xf32, #tpu.memory_space<hbm>>) target_semaphore(%run_scoped3A : memref<!tpu.dma_semaphore, #tpu.memory_space<semaphore_mem>>)
      %dma_wait3A_47 = arith.constant 0 : i32
      %dma_wait3A_48 = arith.constant 0 : i32
      %dma_wait3A_49 = tpu.memref_slice %arg4[%add3A, %dma_wait3A_47, %dma_wait3A_48] : memref<32x144x768xf32, #tpu.memory_space<hbm>> -> memref<1x144x768xf32, #tpu.memory_space<hbm>>
      %dma_wait3A_50 = tpu.memref_squeeze %dma_wait3A_49 : memref<1x144x768xf32, #tpu.memory_space<hbm>> -> memref<144x768xf32, #tpu.memory_space<hbm>>
      %dma_wait3A_51 = arith.constant 0 : i32
      %dma_wait3A_52 = arith.constant 0 : i32
      %dma_wait3A_53 = tpu.memref_slice %arg4[%add3A, %dma_wait3A_51, %dma_wait3A_52] : memref<32x144x768xf32, #tpu.memory_space<hbm>> -> memref<1x144x768xf32, #tpu.memory_space<hbm>>
      %dma_wait3A_54 = tpu.memref_squeeze %dma_wait3A_53 : memref<1x144x768xf32, #tpu.memory_space<hbm>> -> memref<144x768xf32, #tpu.memory_space<hbm>>
      tpu.wait_dma2 semaphore(%run_scoped3A : memref<!tpu.dma_semaphore, #tpu.memory_space<semaphore_mem>>) src(%arg6 : memref<144x768xf32, #tpu.memory_space<vmem>>) dst(%dma_wait3A_54 : memref<144x768xf32, #tpu.memory_space<hbm>>)
      tpu.yield
    }) : () -> ()
    return
  }
}

#map = affine_map<(d0, d1) -> (0, 0)>
#map1 = affine_map<(d0, d1) -> (0, 0, 0)>
module attributes {stable_mosaic.version = 14 : i64} {
  func.func @patch_gather(%arg0: i32, %arg1: i32, %arg2: memref<884736x16xf32, #tpu.memory_space<hbm>>, %arg3: memref<32x54x128xi32, #tpu.memory_space<hbm>>, %arg4: memref<32x6912x16xf32, #tpu.memory_space<hbm>>, %arg5: memref<54x128xi32, #tpu.memory_space<vmem>>, %arg6: memref<6912x16xf32, #tpu.memory_space<vmem>>, %arg7: memref<!tpu.dma_semaphore, #tpu.memory_space<semaphore_mem>>) attributes {dimension_semantics = [#tpu.dimension_semantics<core_parallel>, #tpu.dimension_semantics<subcore_parallel>], iteration_bounds = array<i64: 2, 16>, scalar_prefetch = 0 : i64, scratch_operands = 3 : i64, tpu.core_type = #tpu.core_type<sc_vector_subcore>, window_params = [{transform_indices = #map}, {transform_indices = #map1}, {transform_indices = #map1}]} {
    %mul3A = arith.constant 2 : i32
    %mul3A_0 = arith.muli %arg1, %mul3A : i32
    %add3A = arith.addi %mul3A_0, %arg0 : i32
    "tpu.region"() ({
      %run_scoped3A = tpu.sem_alloc : memref<!tpu.dma_semaphore, #tpu.memory_space<semaphore_mem>>
      %dma_start3A = arith.constant 0 : i32
      %dma_start3A_6 = arith.constant 0 : i32
      %dma_start3A_7 = tpu.memref_slice %arg3[%add3A, %dma_start3A, %dma_start3A_6] : memref<32x54x128xi32, #tpu.memory_space<hbm>> -> memref<1x54x128xi32, #tpu.memory_space<hbm>>
      %dma_start3A_8 = tpu.memref_squeeze %dma_start3A_7 : memref<1x54x128xi32, #tpu.memory_space<hbm>> -> memref<54x128xi32, #tpu.memory_space<hbm>>
      %dma_start3A_9 = arith.constant 0 : i32
      %dma_start3A_10 = arith.constant 0 : i32
      %dma_start3A_11 = tpu.memref_slice %arg3[%add3A, %dma_start3A_9, %dma_start3A_10] : memref<32x54x128xi32, #tpu.memory_space<hbm>> -> memref<1x54x128xi32, #tpu.memory_space<hbm>>
      %dma_start3A_12 = tpu.memref_squeeze %dma_start3A_11 : memref<1x54x128xi32, #tpu.memory_space<hbm>> -> memref<54x128xi32, #tpu.memory_space<hbm>>
      tpu.enqueue_dma source(%dma_start3A_12 : memref<54x128xi32, #tpu.memory_space<hbm>>) target(%arg5 : memref<54x128xi32, #tpu.memory_space<vmem>>) target_semaphore(%run_scoped3A : memref<!tpu.dma_semaphore, #tpu.memory_space<semaphore_mem>>)
      %dma_wait3A = arith.constant 0 : i32
      %dma_wait3A_13 = arith.constant 0 : i32
      %dma_wait3A_14 = tpu.memref_slice %arg3[%add3A, %dma_wait3A, %dma_wait3A_13] : memref<32x54x128xi32, #tpu.memory_space<hbm>> -> memref<1x54x128xi32, #tpu.memory_space<hbm>>
      %dma_wait3A_15 = tpu.memref_squeeze %dma_wait3A_14 : memref<1x54x128xi32, #tpu.memory_space<hbm>> -> memref<54x128xi32, #tpu.memory_space<hbm>>
      %dma_wait3A_16 = arith.constant 0 : i32
      %dma_wait3A_17 = arith.constant 0 : i32
      %dma_wait3A_18 = tpu.memref_slice %arg3[%add3A, %dma_wait3A_16, %dma_wait3A_17] : memref<32x54x128xi32, #tpu.memory_space<hbm>> -> memref<1x54x128xi32, #tpu.memory_space<hbm>>
      %dma_wait3A_19 = tpu.memref_squeeze %dma_wait3A_18 : memref<1x54x128xi32, #tpu.memory_space<hbm>> -> memref<54x128xi32, #tpu.memory_space<hbm>>
      tpu.wait_dma2 semaphore(%run_scoped3A : memref<!tpu.dma_semaphore, #tpu.memory_space<semaphore_mem>>) src(%dma_wait3A_19 : memref<54x128xi32, #tpu.memory_space<hbm>>) dst(%arg5 : memref<54x128xi32, #tpu.memory_space<vmem>>)
      tpu.yield
    }) : () -> ()
    %scan3A = arith.constant 0 : i32
    %scan3A_1 = arith.constant 0 : i32
    %scan3A_2 = arith.constant 2 : i32
    %scan3A_3 = arith.addi %scan3A_1, %scan3A_2 : i32
    %scan3A_4 = arith.constant 1 : i32
    scf.for %scan3A_6 = %scan3A_1 to %scan3A_3 step %scan3A_4  : i32 {
      %mul3A_7 = arith.constant 27 : i32
      %mul3A_8 = arith.muli %scan3A_6, %mul3A_7 : i32
      %add3A_9 = arith.constant 0 : i32
      %add3A_10 = arith.addi %mul3A_8, %add3A_9 : i32
      %mul3A_11 = arith.constant 128 : i32
      %mul3A_12 = arith.muli %add3A_10, %mul3A_11 : i32
      %dma_start3A = arith.constant 0 : i32
      %dma_start3A_13 = tpu.memref_slice %arg6[%mul3A_12, %dma_start3A] : memref<6912x16xf32, #tpu.memory_space<vmem>> -> memref<128x16xf32, #tpu.memory_space<vmem>>
      %dma_start3A_14 = arith.constant 0 : i32
      %dma_start3A_15 = tpu.memref_slice %arg5[%add3A_10, %dma_start3A_14] : memref<54x128xi32, #tpu.memory_space<vmem>> -> memref<1x128xi32, #tpu.memory_space<vmem>>
      %dma_start3A_16 = tpu.memref_squeeze %dma_start3A_15 : memref<1x128xi32, #tpu.memory_space<vmem>> -> memref<128xi32, #tpu.memory_space<vmem>>
      %dma_start3A_17 = arith.constant 0 : i32
      %dma_start3A_18 = arith.constant 0 : i32
      %dma_start3A_19 = tpu.memref_slice %arg2[%dma_start3A_17, %dma_start3A_18] : memref<884736x16xf32, #tpu.memory_space<hbm>> -> memref<884736x16xf32, #tpu.memory_space<hbm>>
      tpu.enqueue_indirect_dma source(%dma_start3A_19 : memref<884736x16xf32, #tpu.memory_space<hbm>>) target(%dma_start3A_13 : memref<128x16xf32, #tpu.memory_space<vmem>>) offsets(%dma_start3A_16 : memref<128xi32, #tpu.memory_space<vmem>>) semaphore(%arg7 : memref<!tpu.dma_semaphore, #tpu.memory_space<semaphore_mem>>)
      %mul3A_20 = arith.constant 27 : i32
      %mul3A_21 = arith.muli %scan3A_6, %mul3A_20 : i32
      %add3A_22 = arith.constant 1 : i32
      %add3A_23 = arith.addi %mul3A_21, %add3A_22 : i32
      %mul3A_24 = arith.constant 128 : i32
      %mul3A_25 = arith.muli %add3A_23, %mul3A_24 : i32
      %dma_start3A_26 = arith.constant 0 : i32
      %dma_start3A_27 = tpu.memref_slice %arg6[%mul3A_25, %dma_start3A_26] : memref<6912x16xf32, #tpu.memory_space<vmem>> -> memref<128x16xf32, #tpu.memory_space<vmem>>
      %dma_start3A_28 = arith.constant 0 : i32
      %dma_start3A_29 = tpu.memref_slice %arg5[%add3A_23, %dma_start3A_28] : memref<54x128xi32, #tpu.memory_space<vmem>> -> memref<1x128xi32, #tpu.memory_space<vmem>>
      %dma_start3A_30 = tpu.memref_squeeze %dma_start3A_29 : memref<1x128xi32, #tpu.memory_space<vmem>> -> memref<128xi32, #tpu.memory_space<vmem>>
      %dma_start3A_31 = arith.constant 0 : i32
      %dma_start3A_32 = arith.constant 0 : i32
      %dma_start3A_33 = tpu.memref_slice %arg2[%dma_start3A_31, %dma_start3A_32] : memref<884736x16xf32, #tpu.memory_space<hbm>> -> memref<884736x16xf32, #tpu.memory_space<hbm>>
      tpu.enqueue_indirect_dma source(%dma_start3A_33 : memref<884736x16xf32, #tpu.memory_space<hbm>>) target(%dma_start3A_27 : memref<128x16xf32, #tpu.memory_space<vmem>>) offsets(%dma_start3A_30 : memref<128xi32, #tpu.memory_space<vmem>>) semaphore(%arg7 : memref<!tpu.dma_semaphore, #tpu.memory_space<semaphore_mem>>)
      %mul3A_34 = arith.constant 27 : i32
      %mul3A_35 = arith.muli %scan3A_6, %mul3A_34 : i32
      %add3A_36 = arith.constant 2 : i32
      %add3A_37 = arith.addi %mul3A_35, %add3A_36 : i32
      %mul3A_38 = arith.constant 128 : i32
      %mul3A_39 = arith.muli %add3A_37, %mul3A_38 : i32
      %dma_start3A_40 = arith.constant 0 : i32
      %dma_start3A_41 = tpu.memref_slice %arg6[%mul3A_39, %dma_start3A_40] : memref<6912x16xf32, #tpu.memory_space<vmem>> -> memref<128x16xf32, #tpu.memory_space<vmem>>
      %dma_start3A_42 = arith.constant 0 : i32
      %dma_start3A_43 = tpu.memref_slice %arg5[%add3A_37, %dma_start3A_42] : memref<54x128xi32, #tpu.memory_space<vmem>> -> memref<1x128xi32, #tpu.memory_space<vmem>>
      %dma_start3A_44 = tpu.memref_squeeze %dma_start3A_43 : memref<1x128xi32, #tpu.memory_space<vmem>> -> memref<128xi32, #tpu.memory_space<vmem>>
      %dma_start3A_45 = arith.constant 0 : i32
      %dma_start3A_46 = arith.constant 0 : i32
      %dma_start3A_47 = tpu.memref_slice %arg2[%dma_start3A_45, %dma_start3A_46] : memref<884736x16xf32, #tpu.memory_space<hbm>> -> memref<884736x16xf32, #tpu.memory_space<hbm>>
      tpu.enqueue_indirect_dma source(%dma_start3A_47 : memref<884736x16xf32, #tpu.memory_space<hbm>>) target(%dma_start3A_41 : memref<128x16xf32, #tpu.memory_space<vmem>>) offsets(%dma_start3A_44 : memref<128xi32, #tpu.memory_space<vmem>>) semaphore(%arg7 : memref<!tpu.dma_semaphore, #tpu.memory_space<semaphore_mem>>)
      %mul3A_48 = arith.constant 27 : i32
      %mul3A_49 = arith.muli %scan3A_6, %mul3A_48 : i32
      %add3A_50 = arith.constant 3 : i32
      %add3A_51 = arith.addi %mul3A_49, %add3A_50 : i32
      %mul3A_52 = arith.constant 128 : i32
      %mul3A_53 = arith.muli %add3A_51, %mul3A_52 : i32
      %dma_start3A_54 = arith.constant 0 : i32
      %dma_start3A_55 = tpu.memref_slice %arg6[%mul3A_53, %dma_start3A_54] : memref<6912x16xf32, #tpu.memory_space<vmem>> -> memref<128x16xf32, #tpu.memory_space<vmem>>
      %dma_start3A_56 = arith.constant 0 : i32
      %dma_start3A_57 = tpu.memref_slice %arg5[%add3A_51, %dma_start3A_56] : memref<54x128xi32, #tpu.memory_space<vmem>> -> memref<1x128xi32, #tpu.memory_space<vmem>>
      %dma_start3A_58 = tpu.memref_squeeze %dma_start3A_57 : memref<1x128xi32, #tpu.memory_space<vmem>> -> memref<128xi32, #tpu.memory_space<vmem>>
      %dma_start3A_59 = arith.constant 0 : i32
      %dma_start3A_60 = arith.constant 0 : i32
      %dma_start3A_61 = tpu.memref_slice %arg2[%dma_start3A_59, %dma_start3A_60] : memref<884736x16xf32, #tpu.memory_space<hbm>> -> memref<884736x16xf32, #tpu.memory_space<hbm>>
      tpu.enqueue_indirect_dma source(%dma_start3A_61 : memref<884736x16xf32, #tpu.memory_space<hbm>>) target(%dma_start3A_55 : memref<128x16xf32, #tpu.memory_space<vmem>>) offsets(%dma_start3A_58 : memref<128xi32, #tpu.memory_space<vmem>>) semaphore(%arg7 : memref<!tpu.dma_semaphore, #tpu.memory_space<semaphore_mem>>)
      %mul3A_62 = arith.constant 27 : i32
      %mul3A_63 = arith.muli %scan3A_6, %mul3A_62 : i32
      %add3A_64 = arith.constant 4 : i32
      %add3A_65 = arith.addi %mul3A_63, %add3A_64 : i32
      %mul3A_66 = arith.constant 128 : i32
      %mul3A_67 = arith.muli %add3A_65, %mul3A_66 : i32
      %dma_start3A_68 = arith.constant 0 : i32
      %dma_start3A_69 = tpu.memref_slice %arg6[%mul3A_67, %dma_start3A_68] : memref<6912x16xf32, #tpu.memory_space<vmem>> -> memref<128x16xf32, #tpu.memory_space<vmem>>
      %dma_start3A_70 = arith.constant 0 : i32
      %dma_start3A_71 = tpu.memref_slice %arg5[%add3A_65, %dma_start3A_70] : memref<54x128xi32, #tpu.memory_space<vmem>> -> memref<1x128xi32, #tpu.memory_space<vmem>>
      %dma_start3A_72 = tpu.memref_squeeze %dma_start3A_71 : memref<1x128xi32, #tpu.memory_space<vmem>> -> memref<128xi32, #tpu.memory_space<vmem>>
      %dma_start3A_73 = arith.constant 0 : i32
      %dma_start3A_74 = arith.constant 0 : i32
      %dma_start3A_75 = tpu.memref_slice %arg2[%dma_start3A_73, %dma_start3A_74] : memref<884736x16xf32, #tpu.memory_space<hbm>> -> memref<884736x16xf32, #tpu.memory_space<hbm>>
      tpu.enqueue_indirect_dma source(%dma_start3A_75 : memref<884736x16xf32, #tpu.memory_space<hbm>>) target(%dma_start3A_69 : memref<128x16xf32, #tpu.memory_space<vmem>>) offsets(%dma_start3A_72 : memref<128xi32, #tpu.memory_space<vmem>>) semaphore(%arg7 : memref<!tpu.dma_semaphore, #tpu.memory_space<semaphore_mem>>)
      %mul3A_76 = arith.constant 27 : i32
      %mul3A_77 = arith.muli %scan3A_6, %mul3A_76 : i32
      %add3A_78 = arith.constant 5 : i32
      %add3A_79 = arith.addi %mul3A_77, %add3A_78 : i32
      %mul3A_80 = arith.constant 128 : i32
      %mul3A_81 = arith.muli %add3A_79, %mul3A_80 : i32
      %dma_start3A_82 = arith.constant 0 : i32
      %dma_start3A_83 = tpu.memref_slice %arg6[%mul3A_81, %dma_start3A_82] : memref<6912x16xf32, #tpu.memory_space<vmem>> -> memref<128x16xf32, #tpu.memory_space<vmem>>
      %dma_start3A_84 = arith.constant 0 : i32
      %dma_start3A_85 = tpu.memref_slice %arg5[%add3A_79, %dma_start3A_84] : memref<54x128xi32, #tpu.memory_space<vmem>> -> memref<1x128xi32, #tpu.memory_space<vmem>>
      %dma_start3A_86 = tpu.memref_squeeze %dma_start3A_85 : memref<1x128xi32, #tpu.memory_space<vmem>> -> memref<128xi32, #tpu.memory_space<vmem>>
      %dma_start3A_87 = arith.constant 0 : i32
      %dma_start3A_88 = arith.constant 0 : i32
      %dma_start3A_89 = tpu.memref_slice %arg2[%dma_start3A_87, %dma_start3A_88] : memref<884736x16xf32, #tpu.memory_space<hbm>> -> memref<884736x16xf32, #tpu.memory_space<hbm>>
      tpu.enqueue_indirect_dma source(%dma_start3A_89 : memref<884736x16xf32, #tpu.memory_space<hbm>>) target(%dma_start3A_83 : memref<128x16xf32, #tpu.memory_space<vmem>>) offsets(%dma_start3A_86 : memref<128xi32, #tpu.memory_space<vmem>>) semaphore(%arg7 : memref<!tpu.dma_semaphore, #tpu.memory_space<semaphore_mem>>)
      %mul3A_90 = arith.constant 27 : i32
      %mul3A_91 = arith.muli %scan3A_6, %mul3A_90 : i32
      %add3A_92 = arith.constant 6 : i32
      %add3A_93 = arith.addi %mul3A_91, %add3A_92 : i32
      %mul3A_94 = arith.constant 128 : i32
      %mul3A_95 = arith.muli %add3A_93, %mul3A_94 : i32
      %dma_start3A_96 = arith.constant 0 : i32
      %dma_start3A_97 = tpu.memref_slice %arg6[%mul3A_95, %dma_start3A_96] : memref<6912x16xf32, #tpu.memory_space<vmem>> -> memref<128x16xf32, #tpu.memory_space<vmem>>
      %dma_start3A_98 = arith.constant 0 : i32
      %dma_start3A_99 = tpu.memref_slice %arg5[%add3A_93, %dma_start3A_98] : memref<54x128xi32, #tpu.memory_space<vmem>> -> memref<1x128xi32, #tpu.memory_space<vmem>>
      %dma_start3A_100 = tpu.memref_squeeze %dma_start3A_99 : memref<1x128xi32, #tpu.memory_space<vmem>> -> memref<128xi32, #tpu.memory_space<vmem>>
      %dma_start3A_101 = arith.constant 0 : i32
      %dma_start3A_102 = arith.constant 0 : i32
      %dma_start3A_103 = tpu.memref_slice %arg2[%dma_start3A_101, %dma_start3A_102] : memref<884736x16xf32, #tpu.memory_space<hbm>> -> memref<884736x16xf32, #tpu.memory_space<hbm>>
      tpu.enqueue_indirect_dma source(%dma_start3A_103 : memref<884736x16xf32, #tpu.memory_space<hbm>>) target(%dma_start3A_97 : memref<128x16xf32, #tpu.memory_space<vmem>>) offsets(%dma_start3A_100 : memref<128xi32, #tpu.memory_space<vmem>>) semaphore(%arg7 : memref<!tpu.dma_semaphore, #tpu.memory_space<semaphore_mem>>)
      %mul3A_104 = arith.constant 27 : i32
      %mul3A_105 = arith.muli %scan3A_6, %mul3A_104 : i32
      %add3A_106 = arith.constant 7 : i32
      %add3A_107 = arith.addi %mul3A_105, %add3A_106 : i32
      %mul3A_108 = arith.constant 128 : i32
      %mul3A_109 = arith.muli %add3A_107, %mul3A_108 : i32
      %dma_start3A_110 = arith.constant 0 : i32
      %dma_start3A_111 = tpu.memref_slice %arg6[%mul3A_109, %dma_start3A_110] : memref<6912x16xf32, #tpu.memory_space<vmem>> -> memref<128x16xf32, #tpu.memory_space<vmem>>
      %dma_start3A_112 = arith.constant 0 : i32
      %dma_start3A_113 = tpu.memref_slice %arg5[%add3A_107, %dma_start3A_112] : memref<54x128xi32, #tpu.memory_space<vmem>> -> memref<1x128xi32, #tpu.memory_space<vmem>>
      %dma_start3A_114 = tpu.memref_squeeze %dma_start3A_113 : memref<1x128xi32, #tpu.memory_space<vmem>> -> memref<128xi32, #tpu.memory_space<vmem>>
      %dma_start3A_115 = arith.constant 0 : i32
      %dma_start3A_116 = arith.constant 0 : i32
      %dma_start3A_117 = tpu.memref_slice %arg2[%dma_start3A_115, %dma_start3A_116] : memref<884736x16xf32, #tpu.memory_space<hbm>> -> memref<884736x16xf32, #tpu.memory_space<hbm>>
      tpu.enqueue_indirect_dma source(%dma_start3A_117 : memref<884736x16xf32, #tpu.memory_space<hbm>>) target(%dma_start3A_111 : memref<128x16xf32, #tpu.memory_space<vmem>>) offsets(%dma_start3A_114 : memref<128xi32, #tpu.memory_space<vmem>>) semaphore(%arg7 : memref<!tpu.dma_semaphore, #tpu.memory_space<semaphore_mem>>)
      %mul3A_118 = arith.constant 27 : i32
      %mul3A_119 = arith.muli %scan3A_6, %mul3A_118 : i32
      %add3A_120 = arith.constant 8 : i32
      %add3A_121 = arith.addi %mul3A_119, %add3A_120 : i32
      %mul3A_122 = arith.constant 128 : i32
      %mul3A_123 = arith.muli %add3A_121, %mul3A_122 : i32
      %dma_start3A_124 = arith.constant 0 : i32
      %dma_start3A_125 = tpu.memref_slice %arg6[%mul3A_123, %dma_start3A_124] : memref<6912x16xf32, #tpu.memory_space<vmem>> -> memref<128x16xf32, #tpu.memory_space<vmem>>
      %dma_start3A_126 = arith.constant 0 : i32
      %dma_start3A_127 = tpu.memref_slice %arg5[%add3A_121, %dma_start3A_126] : memref<54x128xi32, #tpu.memory_space<vmem>> -> memref<1x128xi32, #tpu.memory_space<vmem>>
      %dma_start3A_128 = tpu.memref_squeeze %dma_start3A_127 : memref<1x128xi32, #tpu.memory_space<vmem>> -> memref<128xi32, #tpu.memory_space<vmem>>
      %dma_start3A_129 = arith.constant 0 : i32
      %dma_start3A_130 = arith.constant 0 : i32
      %dma_start3A_131 = tpu.memref_slice %arg2[%dma_start3A_129, %dma_start3A_130] : memref<884736x16xf32, #tpu.memory_space<hbm>> -> memref<884736x16xf32, #tpu.memory_space<hbm>>
      tpu.enqueue_indirect_dma source(%dma_start3A_131 : memref<884736x16xf32, #tpu.memory_space<hbm>>) target(%dma_start3A_125 : memref<128x16xf32, #tpu.memory_space<vmem>>) offsets(%dma_start3A_128 : memref<128xi32, #tpu.memory_space<vmem>>) semaphore(%arg7 : memref<!tpu.dma_semaphore, #tpu.memory_space<semaphore_mem>>)
      %mul3A_132 = arith.constant 27 : i32
      %mul3A_133 = arith.muli %scan3A_6, %mul3A_132 : i32
      %add3A_134 = arith.constant 9 : i32
      %add3A_135 = arith.addi %mul3A_133, %add3A_134 : i32
      %mul3A_136 = arith.constant 128 : i32
      %mul3A_137 = arith.muli %add3A_135, %mul3A_136 : i32
      %dma_start3A_138 = arith.constant 0 : i32
      %dma_start3A_139 = tpu.memref_slice %arg6[%mul3A_137, %dma_start3A_138] : memref<6912x16xf32, #tpu.memory_space<vmem>> -> memref<128x16xf32, #tpu.memory_space<vmem>>
      %dma_start3A_140 = arith.constant 0 : i32
      %dma_start3A_141 = tpu.memref_slice %arg5[%add3A_135, %dma_start3A_140] : memref<54x128xi32, #tpu.memory_space<vmem>> -> memref<1x128xi32, #tpu.memory_space<vmem>>
      %dma_start3A_142 = tpu.memref_squeeze %dma_start3A_141 : memref<1x128xi32, #tpu.memory_space<vmem>> -> memref<128xi32, #tpu.memory_space<vmem>>
      %dma_start3A_143 = arith.constant 0 : i32
      %dma_start3A_144 = arith.constant 0 : i32
      %dma_start3A_145 = tpu.memref_slice %arg2[%dma_start3A_143, %dma_start3A_144] : memref<884736x16xf32, #tpu.memory_space<hbm>> -> memref<884736x16xf32, #tpu.memory_space<hbm>>
      tpu.enqueue_indirect_dma source(%dma_start3A_145 : memref<884736x16xf32, #tpu.memory_space<hbm>>) target(%dma_start3A_139 : memref<128x16xf32, #tpu.memory_space<vmem>>) offsets(%dma_start3A_142 : memref<128xi32, #tpu.memory_space<vmem>>) semaphore(%arg7 : memref<!tpu.dma_semaphore, #tpu.memory_space<semaphore_mem>>)
      %mul3A_146 = arith.constant 27 : i32
      %mul3A_147 = arith.muli %scan3A_6, %mul3A_146 : i32
      %add3A_148 = arith.constant 10 : i32
      %add3A_149 = arith.addi %mul3A_147, %add3A_148 : i32
      %mul3A_150 = arith.constant 128 : i32
      %mul3A_151 = arith.muli %add3A_149, %mul3A_150 : i32
      %dma_start3A_152 = arith.constant 0 : i32
      %dma_start3A_153 = tpu.memref_slice %arg6[%mul3A_151, %dma_start3A_152] : memref<6912x16xf32, #tpu.memory_space<vmem>> -> memref<128x16xf32, #tpu.memory_space<vmem>>
      %dma_start3A_154 = arith.constant 0 : i32
      %dma_start3A_155 = tpu.memref_slice %arg5[%add3A_149, %dma_start3A_154] : memref<54x128xi32, #tpu.memory_space<vmem>> -> memref<1x128xi32, #tpu.memory_space<vmem>>
      %dma_start3A_156 = tpu.memref_squeeze %dma_start3A_155 : memref<1x128xi32, #tpu.memory_space<vmem>> -> memref<128xi32, #tpu.memory_space<vmem>>
      %dma_start3A_157 = arith.constant 0 : i32
      %dma_start3A_158 = arith.constant 0 : i32
      %dma_start3A_159 = tpu.memref_slice %arg2[%dma_start3A_157, %dma_start3A_158] : memref<884736x16xf32, #tpu.memory_space<hbm>> -> memref<884736x16xf32, #tpu.memory_space<hbm>>
      tpu.enqueue_indirect_dma source(%dma_start3A_159 : memref<884736x16xf32, #tpu.memory_space<hbm>>) target(%dma_start3A_153 : memref<128x16xf32, #tpu.memory_space<vmem>>) offsets(%dma_start3A_156 : memref<128xi32, #tpu.memory_space<vmem>>) semaphore(%arg7 : memref<!tpu.dma_semaphore, #tpu.memory_space<semaphore_mem>>)
      %mul3A_160 = arith.constant 27 : i32
      %mul3A_161 = arith.muli %scan3A_6, %mul3A_160 : i32
      %add3A_162 = arith.constant 11 : i32
      %add3A_163 = arith.addi %mul3A_161, %add3A_162 : i32
      %mul3A_164 = arith.constant 128 : i32
      %mul3A_165 = arith.muli %add3A_163, %mul3A_164 : i32
      %dma_start3A_166 = arith.constant 0 : i32
      %dma_start3A_167 = tpu.memref_slice %arg6[%mul3A_165, %dma_start3A_166] : memref<6912x16xf32, #tpu.memory_space<vmem>> -> memref<128x16xf32, #tpu.memory_space<vmem>>
      %dma_start3A_168 = arith.constant 0 : i32
      %dma_start3A_169 = tpu.memref_slice %arg5[%add3A_163, %dma_start3A_168] : memref<54x128xi32, #tpu.memory_space<vmem>> -> memref<1x128xi32, #tpu.memory_space<vmem>>
      %dma_start3A_170 = tpu.memref_squeeze %dma_start3A_169 : memref<1x128xi32, #tpu.memory_space<vmem>> -> memref<128xi32, #tpu.memory_space<vmem>>
      %dma_start3A_171 = arith.constant 0 : i32
      %dma_start3A_172 = arith.constant 0 : i32
      %dma_start3A_173 = tpu.memref_slice %arg2[%dma_start3A_171, %dma_start3A_172] : memref<884736x16xf32, #tpu.memory_space<hbm>> -> memref<884736x16xf32, #tpu.memory_space<hbm>>
      tpu.enqueue_indirect_dma source(%dma_start3A_173 : memref<884736x16xf32, #tpu.memory_space<hbm>>) target(%dma_start3A_167 : memref<128x16xf32, #tpu.memory_space<vmem>>) offsets(%dma_start3A_170 : memref<128xi32, #tpu.memory_space<vmem>>) semaphore(%arg7 : memref<!tpu.dma_semaphore, #tpu.memory_space<semaphore_mem>>)
      %mul3A_174 = arith.constant 27 : i32
      %mul3A_175 = arith.muli %scan3A_6, %mul3A_174 : i32
      %add3A_176 = arith.constant 12 : i32
      %add3A_177 = arith.addi %mul3A_175, %add3A_176 : i32
      %mul3A_178 = arith.constant 128 : i32
      %mul3A_179 = arith.muli %add3A_177, %mul3A_178 : i32
      %dma_start3A_180 = arith.constant 0 : i32
      %dma_start3A_181 = tpu.memref_slice %arg6[%mul3A_179, %dma_start3A_180] : memref<6912x16xf32, #tpu.memory_space<vmem>> -> memref<128x16xf32, #tpu.memory_space<vmem>>
      %dma_start3A_182 = arith.constant 0 : i32
      %dma_start3A_183 = tpu.memref_slice %arg5[%add3A_177, %dma_start3A_182] : memref<54x128xi32, #tpu.memory_space<vmem>> -> memref<1x128xi32, #tpu.memory_space<vmem>>
      %dma_start3A_184 = tpu.memref_squeeze %dma_start3A_183 : memref<1x128xi32, #tpu.memory_space<vmem>> -> memref<128xi32, #tpu.memory_space<vmem>>
      %dma_start3A_185 = arith.constant 0 : i32
      %dma_start3A_186 = arith.constant 0 : i32
      %dma_start3A_187 = tpu.memref_slice %arg2[%dma_start3A_185, %dma_start3A_186] : memref<884736x16xf32, #tpu.memory_space<hbm>> -> memref<884736x16xf32, #tpu.memory_space<hbm>>
      tpu.enqueue_indirect_dma source(%dma_start3A_187 : memref<884736x16xf32, #tpu.memory_space<hbm>>) target(%dma_start3A_181 : memref<128x16xf32, #tpu.memory_space<vmem>>) offsets(%dma_start3A_184 : memref<128xi32, #tpu.memory_space<vmem>>) semaphore(%arg7 : memref<!tpu.dma_semaphore, #tpu.memory_space<semaphore_mem>>)
      %mul3A_188 = arith.constant 27 : i32
      %mul3A_189 = arith.muli %scan3A_6, %mul3A_188 : i32
      %add3A_190 = arith.constant 13 : i32
      %add3A_191 = arith.addi %mul3A_189, %add3A_190 : i32
      %mul3A_192 = arith.constant 128 : i32
      %mul3A_193 = arith.muli %add3A_191, %mul3A_192 : i32
      %dma_start3A_194 = arith.constant 0 : i32
      %dma_start3A_195 = tpu.memref_slice %arg6[%mul3A_193, %dma_start3A_194] : memref<6912x16xf32, #tpu.memory_space<vmem>> -> memref<128x16xf32, #tpu.memory_space<vmem>>
      %dma_start3A_196 = arith.constant 0 : i32
      %dma_start3A_197 = tpu.memref_slice %arg5[%add3A_191, %dma_start3A_196] : memref<54x128xi32, #tpu.memory_space<vmem>> -> memref<1x128xi32, #tpu.memory_space<vmem>>
      %dma_start3A_198 = tpu.memref_squeeze %dma_start3A_197 : memref<1x128xi32, #tpu.memory_space<vmem>> -> memref<128xi32, #tpu.memory_space<vmem>>
      %dma_start3A_199 = arith.constant 0 : i32
      %dma_start3A_200 = arith.constant 0 : i32
      %dma_start3A_201 = tpu.memref_slice %arg2[%dma_start3A_199, %dma_start3A_200] : memref<884736x16xf32, #tpu.memory_space<hbm>> -> memref<884736x16xf32, #tpu.memory_space<hbm>>
      tpu.enqueue_indirect_dma source(%dma_start3A_201 : memref<884736x16xf32, #tpu.memory_space<hbm>>) target(%dma_start3A_195 : memref<128x16xf32, #tpu.memory_space<vmem>>) offsets(%dma_start3A_198 : memref<128xi32, #tpu.memory_space<vmem>>) semaphore(%arg7 : memref<!tpu.dma_semaphore, #tpu.memory_space<semaphore_mem>>)
      %mul3A_202 = arith.constant 27 : i32
      %mul3A_203 = arith.muli %scan3A_6, %mul3A_202 : i32
      %add3A_204 = arith.constant 14 : i32
      %add3A_205 = arith.addi %mul3A_203, %add3A_204 : i32
      %mul3A_206 = arith.constant 128 : i32
      %mul3A_207 = arith.muli %add3A_205, %mul3A_206 : i32
      %dma_start3A_208 = arith.constant 0 : i32
      %dma_start3A_209 = tpu.memref_slice %arg6[%mul3A_207, %dma_start3A_208] : memref<6912x16xf32, #tpu.memory_space<vmem>> -> memref<128x16xf32, #tpu.memory_space<vmem>>
      %dma_start3A_210 = arith.constant 0 : i32
      %dma_start3A_211 = tpu.memref_slice %arg5[%add3A_205, %dma_start3A_210] : memref<54x128xi32, #tpu.memory_space<vmem>> -> memref<1x128xi32, #tpu.memory_space<vmem>>
      %dma_start3A_212 = tpu.memref_squeeze %dma_start3A_211 : memref<1x128xi32, #tpu.memory_space<vmem>> -> memref<128xi32, #tpu.memory_space<vmem>>
      %dma_start3A_213 = arith.constant 0 : i32
      %dma_start3A_214 = arith.constant 0 : i32
      %dma_start3A_215 = tpu.memref_slice %arg2[%dma_start3A_213, %dma_start3A_214] : memref<884736x16xf32, #tpu.memory_space<hbm>> -> memref<884736x16xf32, #tpu.memory_space<hbm>>
      tpu.enqueue_indirect_dma source(%dma_start3A_215 : memref<884736x16xf32, #tpu.memory_space<hbm>>) target(%dma_start3A_209 : memref<128x16xf32, #tpu.memory_space<vmem>>) offsets(%dma_start3A_212 : memref<128xi32, #tpu.memory_space<vmem>>) semaphore(%arg7 : memref<!tpu.dma_semaphore, #tpu.memory_space<semaphore_mem>>)
      %mul3A_216 = arith.constant 27 : i32
      %mul3A_217 = arith.muli %scan3A_6, %mul3A_216 : i32
      %add3A_218 = arith.constant 15 : i32
      %add3A_219 = arith.addi %mul3A_217, %add3A_218 : i32
      %mul3A_220 = arith.constant 128 : i32
      %mul3A_221 = arith.muli %add3A_219, %mul3A_220 : i32
      %dma_start3A_222 = arith.constant 0 : i32
      %dma_start3A_223 = tpu.memref_slice %arg6[%mul3A_221, %dma_start3A_222] : memref<6912x16xf32, #tpu.memory_space<vmem>> -> memref<128x16xf32, #tpu.memory_space<vmem>>
      %dma_start3A_224 = arith.constant 0 : i32
      %dma_start3A_225 = tpu.memref_slice %arg5[%add3A_219, %dma_start3A_224] : memref<54x128xi32, #tpu.memory_space<vmem>> -> memref<1x128xi32, #tpu.memory_space<vmem>>
      %dma_start3A_226 = tpu.memref_squeeze %dma_start3A_225 : memref<1x128xi32, #tpu.memory_space<vmem>> -> memref<128xi32, #tpu.memory_space<vmem>>
      %dma_start3A_227 = arith.constant 0 : i32
      %dma_start3A_228 = arith.constant 0 : i32
      %dma_start3A_229 = tpu.memref_slice %arg2[%dma_start3A_227, %dma_start3A_228] : memref<884736x16xf32, #tpu.memory_space<hbm>> -> memref<884736x16xf32, #tpu.memory_space<hbm>>
      tpu.enqueue_indirect_dma source(%dma_start3A_229 : memref<884736x16xf32, #tpu.memory_space<hbm>>) target(%dma_start3A_223 : memref<128x16xf32, #tpu.memory_space<vmem>>) offsets(%dma_start3A_226 : memref<128xi32, #tpu.memory_space<vmem>>) semaphore(%arg7 : memref<!tpu.dma_semaphore, #tpu.memory_space<semaphore_mem>>)
      %mul3A_230 = arith.constant 27 : i32
      %mul3A_231 = arith.muli %scan3A_6, %mul3A_230 : i32
      %add3A_232 = arith.constant 16 : i32
      %add3A_233 = arith.addi %mul3A_231, %add3A_232 : i32
      %mul3A_234 = arith.constant 128 : i32
      %mul3A_235 = arith.muli %add3A_233, %mul3A_234 : i32
      %dma_start3A_236 = arith.constant 0 : i32
      %dma_start3A_237 = tpu.memref_slice %arg6[%mul3A_235, %dma_start3A_236] : memref<6912x16xf32, #tpu.memory_space<vmem>> -> memref<128x16xf32, #tpu.memory_space<vmem>>
      %dma_start3A_238 = arith.constant 0 : i32
      %dma_start3A_239 = tpu.memref_slice %arg5[%add3A_233, %dma_start3A_238] : memref<54x128xi32, #tpu.memory_space<vmem>> -> memref<1x128xi32, #tpu.memory_space<vmem>>
      %dma_start3A_240 = tpu.memref_squeeze %dma_start3A_239 : memref<1x128xi32, #tpu.memory_space<vmem>> -> memref<128xi32, #tpu.memory_space<vmem>>
      %dma_start3A_241 = arith.constant 0 : i32
      %dma_start3A_242 = arith.constant 0 : i32
      %dma_start3A_243 = tpu.memref_slice %arg2[%dma_start3A_241, %dma_start3A_242] : memref<884736x16xf32, #tpu.memory_space<hbm>> -> memref<884736x16xf32, #tpu.memory_space<hbm>>
      tpu.enqueue_indirect_dma source(%dma_start3A_243 : memref<884736x16xf32, #tpu.memory_space<hbm>>) target(%dma_start3A_237 : memref<128x16xf32, #tpu.memory_space<vmem>>) offsets(%dma_start3A_240 : memref<128xi32, #tpu.memory_space<vmem>>) semaphore(%arg7 : memref<!tpu.dma_semaphore, #tpu.memory_space<semaphore_mem>>)
      %mul3A_244 = arith.constant 27 : i32
      %mul3A_245 = arith.muli %scan3A_6, %mul3A_244 : i32
      %add3A_246 = arith.constant 17 : i32
      %add3A_247 = arith.addi %mul3A_245, %add3A_246 : i32
      %mul3A_248 = arith.constant 128 : i32
      %mul3A_249 = arith.muli %add3A_247, %mul3A_248 : i32
      %dma_start3A_250 = arith.constant 0 : i32
      %dma_start3A_251 = tpu.memref_slice %arg6[%mul3A_249, %dma_start3A_250] : memref<6912x16xf32, #tpu.memory_space<vmem>> -> memref<128x16xf32, #tpu.memory_space<vmem>>
      %dma_start3A_252 = arith.constant 0 : i32
      %dma_start3A_253 = tpu.memref_slice %arg5[%add3A_247, %dma_start3A_252] : memref<54x128xi32, #tpu.memory_space<vmem>> -> memref<1x128xi32, #tpu.memory_space<vmem>>
      %dma_start3A_254 = tpu.memref_squeeze %dma_start3A_253 : memref<1x128xi32, #tpu.memory_space<vmem>> -> memref<128xi32, #tpu.memory_space<vmem>>
      %dma_start3A_255 = arith.constant 0 : i32
      %dma_start3A_256 = arith.constant 0 : i32
      %dma_start3A_257 = tpu.memref_slice %arg2[%dma_start3A_255, %dma_start3A_256] : memref<884736x16xf32, #tpu.memory_space<hbm>> -> memref<884736x16xf32, #tpu.memory_space<hbm>>
      tpu.enqueue_indirect_dma source(%dma_start3A_257 : memref<884736x16xf32, #tpu.memory_space<hbm>>) target(%dma_start3A_251 : memref<128x16xf32, #tpu.memory_space<vmem>>) offsets(%dma_start3A_254 : memref<128xi32, #tpu.memory_space<vmem>>) semaphore(%arg7 : memref<!tpu.dma_semaphore, #tpu.memory_space<semaphore_mem>>)
      %mul3A_258 = arith.constant 27 : i32
      %mul3A_259 = arith.muli %scan3A_6, %mul3A_258 : i32
      %add3A_260 = arith.constant 18 : i32
      %add3A_261 = arith.addi %mul3A_259, %add3A_260 : i32
      %mul3A_262 = arith.constant 128 : i32
      %mul3A_263 = arith.muli %add3A_261, %mul3A_262 : i32
      %dma_start3A_264 = arith.constant 0 : i32
      %dma_start3A_265 = tpu.memref_slice %arg6[%mul3A_263, %dma_start3A_264] : memref<6912x16xf32, #tpu.memory_space<vmem>> -> memref<128x16xf32, #tpu.memory_space<vmem>>
      %dma_start3A_266 = arith.constant 0 : i32
      %dma_start3A_267 = tpu.memref_slice %arg5[%add3A_261, %dma_start3A_266] : memref<54x128xi32, #tpu.memory_space<vmem>> -> memref<1x128xi32, #tpu.memory_space<vmem>>
      %dma_start3A_268 = tpu.memref_squeeze %dma_start3A_267 : memref<1x128xi32, #tpu.memory_space<vmem>> -> memref<128xi32, #tpu.memory_space<vmem>>
      %dma_start3A_269 = arith.constant 0 : i32
      %dma_start3A_270 = arith.constant 0 : i32
      %dma_start3A_271 = tpu.memref_slice %arg2[%dma_start3A_269, %dma_start3A_270] : memref<884736x16xf32, #tpu.memory_space<hbm>> -> memref<884736x16xf32, #tpu.memory_space<hbm>>
      tpu.enqueue_indirect_dma source(%dma_start3A_271 : memref<884736x16xf32, #tpu.memory_space<hbm>>) target(%dma_start3A_265 : memref<128x16xf32, #tpu.memory_space<vmem>>) offsets(%dma_start3A_268 : memref<128xi32, #tpu.memory_space<vmem>>) semaphore(%arg7 : memref<!tpu.dma_semaphore, #tpu.memory_space<semaphore_mem>>)
      %mul3A_272 = arith.constant 27 : i32
      %mul3A_273 = arith.muli %scan3A_6, %mul3A_272 : i32
      %add3A_274 = arith.constant 19 : i32
      %add3A_275 = arith.addi %mul3A_273, %add3A_274 : i32
      %mul3A_276 = arith.constant 128 : i32
      %mul3A_277 = arith.muli %add3A_275, %mul3A_276 : i32
      %dma_start3A_278 = arith.constant 0 : i32
      %dma_start3A_279 = tpu.memref_slice %arg6[%mul3A_277, %dma_start3A_278] : memref<6912x16xf32, #tpu.memory_space<vmem>> -> memref<128x16xf32, #tpu.memory_space<vmem>>
      %dma_start3A_280 = arith.constant 0 : i32
      %dma_start3A_281 = tpu.memref_slice %arg5[%add3A_275, %dma_start3A_280] : memref<54x128xi32, #tpu.memory_space<vmem>> -> memref<1x128xi32, #tpu.memory_space<vmem>>
      %dma_start3A_282 = tpu.memref_squeeze %dma_start3A_281 : memref<1x128xi32, #tpu.memory_space<vmem>> -> memref<128xi32, #tpu.memory_space<vmem>>
      %dma_start3A_283 = arith.constant 0 : i32
      %dma_start3A_284 = arith.constant 0 : i32
      %dma_start3A_285 = tpu.memref_slice %arg2[%dma_start3A_283, %dma_start3A_284] : memref<884736x16xf32, #tpu.memory_space<hbm>> -> memref<884736x16xf32, #tpu.memory_space<hbm>>
      tpu.enqueue_indirect_dma source(%dma_start3A_285 : memref<884736x16xf32, #tpu.memory_space<hbm>>) target(%dma_start3A_279 : memref<128x16xf32, #tpu.memory_space<vmem>>) offsets(%dma_start3A_282 : memref<128xi32, #tpu.memory_space<vmem>>) semaphore(%arg7 : memref<!tpu.dma_semaphore, #tpu.memory_space<semaphore_mem>>)
      %mul3A_286 = arith.constant 27 : i32
      %mul3A_287 = arith.muli %scan3A_6, %mul3A_286 : i32
      %add3A_288 = arith.constant 20 : i32
      %add3A_289 = arith.addi %mul3A_287, %add3A_288 : i32
      %mul3A_290 = arith.constant 128 : i32
      %mul3A_291 = arith.muli %add3A_289, %mul3A_290 : i32
      %dma_start3A_292 = arith.constant 0 : i32
      %dma_start3A_293 = tpu.memref_slice %arg6[%mul3A_291, %dma_start3A_292] : memref<6912x16xf32, #tpu.memory_space<vmem>> -> memref<128x16xf32, #tpu.memory_space<vmem>>
      %dma_start3A_294 = arith.constant 0 : i32
      %dma_start3A_295 = tpu.memref_slice %arg5[%add3A_289, %dma_start3A_294] : memref<54x128xi32, #tpu.memory_space<vmem>> -> memref<1x128xi32, #tpu.memory_space<vmem>>
      %dma_start3A_296 = tpu.memref_squeeze %dma_start3A_295 : memref<1x128xi32, #tpu.memory_space<vmem>> -> memref<128xi32, #tpu.memory_space<vmem>>
      %dma_start3A_297 = arith.constant 0 : i32
      %dma_start3A_298 = arith.constant 0 : i32
      %dma_start3A_299 = tpu.memref_slice %arg2[%dma_start3A_297, %dma_start3A_298] : memref<884736x16xf32, #tpu.memory_space<hbm>> -> memref<884736x16xf32, #tpu.memory_space<hbm>>
      tpu.enqueue_indirect_dma source(%dma_start3A_299 : memref<884736x16xf32, #tpu.memory_space<hbm>>) target(%dma_start3A_293 : memref<128x16xf32, #tpu.memory_space<vmem>>) offsets(%dma_start3A_296 : memref<128xi32, #tpu.memory_space<vmem>>) semaphore(%arg7 : memref<!tpu.dma_semaphore, #tpu.memory_space<semaphore_mem>>)
      %mul3A_300 = arith.constant 27 : i32
      %mul3A_301 = arith.muli %scan3A_6, %mul3A_300 : i32
      %add3A_302 = arith.constant 21 : i32
      %add3A_303 = arith.addi %mul3A_301, %add3A_302 : i32
      %mul3A_304 = arith.constant 128 : i32
      %mul3A_305 = arith.muli %add3A_303, %mul3A_304 : i32
      %dma_start3A_306 = arith.constant 0 : i32
      %dma_start3A_307 = tpu.memref_slice %arg6[%mul3A_305, %dma_start3A_306] : memref<6912x16xf32, #tpu.memory_space<vmem>> -> memref<128x16xf32, #tpu.memory_space<vmem>>
      %dma_start3A_308 = arith.constant 0 : i32
      %dma_start3A_309 = tpu.memref_slice %arg5[%add3A_303, %dma_start3A_308] : memref<54x128xi32, #tpu.memory_space<vmem>> -> memref<1x128xi32, #tpu.memory_space<vmem>>
      %dma_start3A_310 = tpu.memref_squeeze %dma_start3A_309 : memref<1x128xi32, #tpu.memory_space<vmem>> -> memref<128xi32, #tpu.memory_space<vmem>>
      %dma_start3A_311 = arith.constant 0 : i32
      %dma_start3A_312 = arith.constant 0 : i32
      %dma_start3A_313 = tpu.memref_slice %arg2[%dma_start3A_311, %dma_start3A_312] : memref<884736x16xf32, #tpu.memory_space<hbm>> -> memref<884736x16xf32, #tpu.memory_space<hbm>>
      tpu.enqueue_indirect_dma source(%dma_start3A_313 : memref<884736x16xf32, #tpu.memory_space<hbm>>) target(%dma_start3A_307 : memref<128x16xf32, #tpu.memory_space<vmem>>) offsets(%dma_start3A_310 : memref<128xi32, #tpu.memory_space<vmem>>) semaphore(%arg7 : memref<!tpu.dma_semaphore, #tpu.memory_space<semaphore_mem>>)
      %mul3A_314 = arith.constant 27 : i32
      %mul3A_315 = arith.muli %scan3A_6, %mul3A_314 : i32
      %add3A_316 = arith.constant 22 : i32
      %add3A_317 = arith.addi %mul3A_315, %add3A_316 : i32
      %mul3A_318 = arith.constant 128 : i32
      %mul3A_319 = arith.muli %add3A_317, %mul3A_318 : i32
      %dma_start3A_320 = arith.constant 0 : i32
      %dma_start3A_321 = tpu.memref_slice %arg6[%mul3A_319, %dma_start3A_320] : memref<6912x16xf32, #tpu.memory_space<vmem>> -> memref<128x16xf32, #tpu.memory_space<vmem>>
      %dma_start3A_322 = arith.constant 0 : i32
      %dma_start3A_323 = tpu.memref_slice %arg5[%add3A_317, %dma_start3A_322] : memref<54x128xi32, #tpu.memory_space<vmem>> -> memref<1x128xi32, #tpu.memory_space<vmem>>
      %dma_start3A_324 = tpu.memref_squeeze %dma_start3A_323 : memref<1x128xi32, #tpu.memory_space<vmem>> -> memref<128xi32, #tpu.memory_space<vmem>>
      %dma_start3A_325 = arith.constant 0 : i32
      %dma_start3A_326 = arith.constant 0 : i32
      %dma_start3A_327 = tpu.memref_slice %arg2[%dma_start3A_325, %dma_start3A_326] : memref<884736x16xf32, #tpu.memory_space<hbm>> -> memref<884736x16xf32, #tpu.memory_space<hbm>>
      tpu.enqueue_indirect_dma source(%dma_start3A_327 : memref<884736x16xf32, #tpu.memory_space<hbm>>) target(%dma_start3A_321 : memref<128x16xf32, #tpu.memory_space<vmem>>) offsets(%dma_start3A_324 : memref<128xi32, #tpu.memory_space<vmem>>) semaphore(%arg7 : memref<!tpu.dma_semaphore, #tpu.memory_space<semaphore_mem>>)
      %mul3A_328 = arith.constant 27 : i32
      %mul3A_329 = arith.muli %scan3A_6, %mul3A_328 : i32
      %add3A_330 = arith.constant 23 : i32
      %add3A_331 = arith.addi %mul3A_329, %add3A_330 : i32
      %mul3A_332 = arith.constant 128 : i32
      %mul3A_333 = arith.muli %add3A_331, %mul3A_332 : i32
      %dma_start3A_334 = arith.constant 0 : i32
      %dma_start3A_335 = tpu.memref_slice %arg6[%mul3A_333, %dma_start3A_334] : memref<6912x16xf32, #tpu.memory_space<vmem>> -> memref<128x16xf32, #tpu.memory_space<vmem>>
      %dma_start3A_336 = arith.constant 0 : i32
      %dma_start3A_337 = tpu.memref_slice %arg5[%add3A_331, %dma_start3A_336] : memref<54x128xi32, #tpu.memory_space<vmem>> -> memref<1x128xi32, #tpu.memory_space<vmem>>
      %dma_start3A_338 = tpu.memref_squeeze %dma_start3A_337 : memref<1x128xi32, #tpu.memory_space<vmem>> -> memref<128xi32, #tpu.memory_space<vmem>>
      %dma_start3A_339 = arith.constant 0 : i32
      %dma_start3A_340 = arith.constant 0 : i32
      %dma_start3A_341 = tpu.memref_slice %arg2[%dma_start3A_339, %dma_start3A_340] : memref<884736x16xf32, #tpu.memory_space<hbm>> -> memref<884736x16xf32, #tpu.memory_space<hbm>>
      tpu.enqueue_indirect_dma source(%dma_start3A_341 : memref<884736x16xf32, #tpu.memory_space<hbm>>) target(%dma_start3A_335 : memref<128x16xf32, #tpu.memory_space<vmem>>) offsets(%dma_start3A_338 : memref<128xi32, #tpu.memory_space<vmem>>) semaphore(%arg7 : memref<!tpu.dma_semaphore, #tpu.memory_space<semaphore_mem>>)
      %mul3A_342 = arith.constant 27 : i32
      %mul3A_343 = arith.muli %scan3A_6, %mul3A_342 : i32
      %add3A_344 = arith.constant 24 : i32
      %add3A_345 = arith.addi %mul3A_343, %add3A_344 : i32
      %mul3A_346 = arith.constant 128 : i32
      %mul3A_347 = arith.muli %add3A_345, %mul3A_346 : i32
      %dma_start3A_348 = arith.constant 0 : i32
      %dma_start3A_349 = tpu.memref_slice %arg6[%mul3A_347, %dma_start3A_348] : memref<6912x16xf32, #tpu.memory_space<vmem>> -> memref<128x16xf32, #tpu.memory_space<vmem>>
      %dma_start3A_350 = arith.constant 0 : i32
      %dma_start3A_351 = tpu.memref_slice %arg5[%add3A_345, %dma_start3A_350] : memref<54x128xi32, #tpu.memory_space<vmem>> -> memref<1x128xi32, #tpu.memory_space<vmem>>
      %dma_start3A_352 = tpu.memref_squeeze %dma_start3A_351 : memref<1x128xi32, #tpu.memory_space<vmem>> -> memref<128xi32, #tpu.memory_space<vmem>>
      %dma_start3A_353 = arith.constant 0 : i32
      %dma_start3A_354 = arith.constant 0 : i32
      %dma_start3A_355 = tpu.memref_slice %arg2[%dma_start3A_353, %dma_start3A_354] : memref<884736x16xf32, #tpu.memory_space<hbm>> -> memref<884736x16xf32, #tpu.memory_space<hbm>>
      tpu.enqueue_indirect_dma source(%dma_start3A_355 : memref<884736x16xf32, #tpu.memory_space<hbm>>) target(%dma_start3A_349 : memref<128x16xf32, #tpu.memory_space<vmem>>) offsets(%dma_start3A_352 : memref<128xi32, #tpu.memory_space<vmem>>) semaphore(%arg7 : memref<!tpu.dma_semaphore, #tpu.memory_space<semaphore_mem>>)
      %mul3A_356 = arith.constant 27 : i32
      %mul3A_357 = arith.muli %scan3A_6, %mul3A_356 : i32
      %add3A_358 = arith.constant 25 : i32
      %add3A_359 = arith.addi %mul3A_357, %add3A_358 : i32
      %mul3A_360 = arith.constant 128 : i32
      %mul3A_361 = arith.muli %add3A_359, %mul3A_360 : i32
      %dma_start3A_362 = arith.constant 0 : i32
      %dma_start3A_363 = tpu.memref_slice %arg6[%mul3A_361, %dma_start3A_362] : memref<6912x16xf32, #tpu.memory_space<vmem>> -> memref<128x16xf32, #tpu.memory_space<vmem>>
      %dma_start3A_364 = arith.constant 0 : i32
      %dma_start3A_365 = tpu.memref_slice %arg5[%add3A_359, %dma_start3A_364] : memref<54x128xi32, #tpu.memory_space<vmem>> -> memref<1x128xi32, #tpu.memory_space<vmem>>
      %dma_start3A_366 = tpu.memref_squeeze %dma_start3A_365 : memref<1x128xi32, #tpu.memory_space<vmem>> -> memref<128xi32, #tpu.memory_space<vmem>>
      %dma_start3A_367 = arith.constant 0 : i32
      %dma_start3A_368 = arith.constant 0 : i32
      %dma_start3A_369 = tpu.memref_slice %arg2[%dma_start3A_367, %dma_start3A_368] : memref<884736x16xf32, #tpu.memory_space<hbm>> -> memref<884736x16xf32, #tpu.memory_space<hbm>>
      tpu.enqueue_indirect_dma source(%dma_start3A_369 : memref<884736x16xf32, #tpu.memory_space<hbm>>) target(%dma_start3A_363 : memref<128x16xf32, #tpu.memory_space<vmem>>) offsets(%dma_start3A_366 : memref<128xi32, #tpu.memory_space<vmem>>) semaphore(%arg7 : memref<!tpu.dma_semaphore, #tpu.memory_space<semaphore_mem>>)
      %mul3A_370 = arith.constant 27 : i32
      %mul3A_371 = arith.muli %scan3A_6, %mul3A_370 : i32
      %add3A_372 = arith.constant 26 : i32
      %add3A_373 = arith.addi %mul3A_371, %add3A_372 : i32
      %mul3A_374 = arith.constant 128 : i32
      %mul3A_375 = arith.muli %add3A_373, %mul3A_374 : i32
      %dma_start3A_376 = arith.constant 0 : i32
      %dma_start3A_377 = tpu.memref_slice %arg6[%mul3A_375, %dma_start3A_376] : memref<6912x16xf32, #tpu.memory_space<vmem>> -> memref<128x16xf32, #tpu.memory_space<vmem>>
      %dma_start3A_378 = arith.constant 0 : i32
      %dma_start3A_379 = tpu.memref_slice %arg5[%add3A_373, %dma_start3A_378] : memref<54x128xi32, #tpu.memory_space<vmem>> -> memref<1x128xi32, #tpu.memory_space<vmem>>
      %dma_start3A_380 = tpu.memref_squeeze %dma_start3A_379 : memref<1x128xi32, #tpu.memory_space<vmem>> -> memref<128xi32, #tpu.memory_space<vmem>>
      %dma_start3A_381 = arith.constant 0 : i32
      %dma_start3A_382 = arith.constant 0 : i32
      %dma_start3A_383 = tpu.memref_slice %arg2[%dma_start3A_381, %dma_start3A_382] : memref<884736x16xf32, #tpu.memory_space<hbm>> -> memref<884736x16xf32, #tpu.memory_space<hbm>>
      tpu.enqueue_indirect_dma source(%dma_start3A_383 : memref<884736x16xf32, #tpu.memory_space<hbm>>) target(%dma_start3A_377 : memref<128x16xf32, #tpu.memory_space<vmem>>) offsets(%dma_start3A_380 : memref<128xi32, #tpu.memory_space<vmem>>) semaphore(%arg7 : memref<!tpu.dma_semaphore, #tpu.memory_space<semaphore_mem>>)
      %dma_wait3A = arith.constant 0 : i32
      %dma_wait3A_384 = tpu.memref_slice %arg6[%mul3A_12, %dma_wait3A] : memref<6912x16xf32, #tpu.memory_space<vmem>> -> memref<128x16xf32, #tpu.memory_space<vmem>>
      %dma_wait3A_385 = arith.constant 0 : i32
      %dma_wait3A_386 = tpu.memref_slice %arg5[%add3A_10, %dma_wait3A_385] : memref<54x128xi32, #tpu.memory_space<vmem>> -> memref<1x128xi32, #tpu.memory_space<vmem>>
      %dma_wait3A_387 = tpu.memref_squeeze %dma_wait3A_386 : memref<1x128xi32, #tpu.memory_space<vmem>> -> memref<128xi32, #tpu.memory_space<vmem>>
      %dma_wait3A_388 = arith.constant 0 : i32
      %dma_wait3A_389 = arith.constant 0 : i32
      %dma_wait3A_390 = tpu.memref_slice %arg2[%dma_wait3A_388, %dma_wait3A_389] : memref<884736x16xf32, #tpu.memory_space<hbm>> -> memref<884736x16xf32, #tpu.memory_space<hbm>>
      tpu.wait_indirect_dma semaphore(%arg7 : memref<!tpu.dma_semaphore, #tpu.memory_space<semaphore_mem>>) src(%dma_wait3A_390 : memref<884736x16xf32, #tpu.memory_space<hbm>>) dst(%dma_wait3A_384 : memref<128x16xf32, #tpu.memory_space<vmem>>)
      %dma_wait3A_391 = arith.constant 0 : i32
      %dma_wait3A_392 = tpu.memref_slice %arg6[%mul3A_25, %dma_wait3A_391] : memref<6912x16xf32, #tpu.memory_space<vmem>> -> memref<128x16xf32, #tpu.memory_space<vmem>>
      %dma_wait3A_393 = arith.constant 0 : i32
      %dma_wait3A_394 = tpu.memref_slice %arg5[%add3A_23, %dma_wait3A_393] : memref<54x128xi32, #tpu.memory_space<vmem>> -> memref<1x128xi32, #tpu.memory_space<vmem>>
      %dma_wait3A_395 = tpu.memref_squeeze %dma_wait3A_394 : memref<1x128xi32, #tpu.memory_space<vmem>> -> memref<128xi32, #tpu.memory_space<vmem>>
      %dma_wait3A_396 = arith.constant 0 : i32
      %dma_wait3A_397 = arith.constant 0 : i32
      %dma_wait3A_398 = tpu.memref_slice %arg2[%dma_wait3A_396, %dma_wait3A_397] : memref<884736x16xf32, #tpu.memory_space<hbm>> -> memref<884736x16xf32, #tpu.memory_space<hbm>>
      tpu.wait_indirect_dma semaphore(%arg7 : memref<!tpu.dma_semaphore, #tpu.memory_space<semaphore_mem>>) src(%dma_wait3A_398 : memref<884736x16xf32, #tpu.memory_space<hbm>>) dst(%dma_wait3A_392 : memref<128x16xf32, #tpu.memory_space<vmem>>)
      %dma_wait3A_399 = arith.constant 0 : i32
      %dma_wait3A_400 = tpu.memref_slice %arg6[%mul3A_39, %dma_wait3A_399] : memref<6912x16xf32, #tpu.memory_space<vmem>> -> memref<128x16xf32, #tpu.memory_space<vmem>>
      %dma_wait3A_401 = arith.constant 0 : i32
      %dma_wait3A_402 = tpu.memref_slice %arg5[%add3A_37, %dma_wait3A_401] : memref<54x128xi32, #tpu.memory_space<vmem>> -> memref<1x128xi32, #tpu.memory_space<vmem>>
      %dma_wait3A_403 = tpu.memref_squeeze %dma_wait3A_402 : memref<1x128xi32, #tpu.memory_space<vmem>> -> memref<128xi32, #tpu.memory_space<vmem>>
      %dma_wait3A_404 = arith.constant 0 : i32
      %dma_wait3A_405 = arith.constant 0 : i32
      %dma_wait3A_406 = tpu.memref_slice %arg2[%dma_wait3A_404, %dma_wait3A_405] : memref<884736x16xf32, #tpu.memory_space<hbm>> -> memref<884736x16xf32, #tpu.memory_space<hbm>>
      tpu.wait_indirect_dma semaphore(%arg7 : memref<!tpu.dma_semaphore, #tpu.memory_space<semaphore_mem>>) src(%dma_wait3A_406 : memref<884736x16xf32, #tpu.memory_space<hbm>>) dst(%dma_wait3A_400 : memref<128x16xf32, #tpu.memory_space<vmem>>)
      %dma_wait3A_407 = arith.constant 0 : i32
      %dma_wait3A_408 = tpu.memref_slice %arg6[%mul3A_53, %dma_wait3A_407] : memref<6912x16xf32, #tpu.memory_space<vmem>> -> memref<128x16xf32, #tpu.memory_space<vmem>>
      %dma_wait3A_409 = arith.constant 0 : i32
      %dma_wait3A_410 = tpu.memref_slice %arg5[%add3A_51, %dma_wait3A_409] : memref<54x128xi32, #tpu.memory_space<vmem>> -> memref<1x128xi32, #tpu.memory_space<vmem>>
      %dma_wait3A_411 = tpu.memref_squeeze %dma_wait3A_410 : memref<1x128xi32, #tpu.memory_space<vmem>> -> memref<128xi32, #tpu.memory_space<vmem>>
      %dma_wait3A_412 = arith.constant 0 : i32
      %dma_wait3A_413 = arith.constant 0 : i32
      %dma_wait3A_414 = tpu.memref_slice %arg2[%dma_wait3A_412, %dma_wait3A_413] : memref<884736x16xf32, #tpu.memory_space<hbm>> -> memref<884736x16xf32, #tpu.memory_space<hbm>>
      tpu.wait_indirect_dma semaphore(%arg7 : memref<!tpu.dma_semaphore, #tpu.memory_space<semaphore_mem>>) src(%dma_wait3A_414 : memref<884736x16xf32, #tpu.memory_space<hbm>>) dst(%dma_wait3A_408 : memref<128x16xf32, #tpu.memory_space<vmem>>)
      %dma_wait3A_415 = arith.constant 0 : i32
      %dma_wait3A_416 = tpu.memref_slice %arg6[%mul3A_67, %dma_wait3A_415] : memref<6912x16xf32, #tpu.memory_space<vmem>> -> memref<128x16xf32, #tpu.memory_space<vmem>>
      %dma_wait3A_417 = arith.constant 0 : i32
      %dma_wait3A_418 = tpu.memref_slice %arg5[%add3A_65, %dma_wait3A_417] : memref<54x128xi32, #tpu.memory_space<vmem>> -> memref<1x128xi32, #tpu.memory_space<vmem>>
      %dma_wait3A_419 = tpu.memref_squeeze %dma_wait3A_418 : memref<1x128xi32, #tpu.memory_space<vmem>> -> memref<128xi32, #tpu.memory_space<vmem>>
      %dma_wait3A_420 = arith.constant 0 : i32
      %dma_wait3A_421 = arith.constant 0 : i32
      %dma_wait3A_422 = tpu.memref_slice %arg2[%dma_wait3A_420, %dma_wait3A_421] : memref<884736x16xf32, #tpu.memory_space<hbm>> -> memref<884736x16xf32, #tpu.memory_space<hbm>>
      tpu.wait_indirect_dma semaphore(%arg7 : memref<!tpu.dma_semaphore, #tpu.memory_space<semaphore_mem>>) src(%dma_wait3A_422 : memref<884736x16xf32, #tpu.memory_space<hbm>>) dst(%dma_wait3A_416 : memref<128x16xf32, #tpu.memory_space<vmem>>)
      %dma_wait3A_423 = arith.constant 0 : i32
      %dma_wait3A_424 = tpu.memref_slice %arg6[%mul3A_81, %dma_wait3A_423] : memref<6912x16xf32, #tpu.memory_space<vmem>> -> memref<128x16xf32, #tpu.memory_space<vmem>>
      %dma_wait3A_425 = arith.constant 0 : i32
      %dma_wait3A_426 = tpu.memref_slice %arg5[%add3A_79, %dma_wait3A_425] : memref<54x128xi32, #tpu.memory_space<vmem>> -> memref<1x128xi32, #tpu.memory_space<vmem>>
      %dma_wait3A_427 = tpu.memref_squeeze %dma_wait3A_426 : memref<1x128xi32, #tpu.memory_space<vmem>> -> memref<128xi32, #tpu.memory_space<vmem>>
      %dma_wait3A_428 = arith.constant 0 : i32
      %dma_wait3A_429 = arith.constant 0 : i32
      %dma_wait3A_430 = tpu.memref_slice %arg2[%dma_wait3A_428, %dma_wait3A_429] : memref<884736x16xf32, #tpu.memory_space<hbm>> -> memref<884736x16xf32, #tpu.memory_space<hbm>>
      tpu.wait_indirect_dma semaphore(%arg7 : memref<!tpu.dma_semaphore, #tpu.memory_space<semaphore_mem>>) src(%dma_wait3A_430 : memref<884736x16xf32, #tpu.memory_space<hbm>>) dst(%dma_wait3A_424 : memref<128x16xf32, #tpu.memory_space<vmem>>)
      %dma_wait3A_431 = arith.constant 0 : i32
      %dma_wait3A_432 = tpu.memref_slice %arg6[%mul3A_95, %dma_wait3A_431] : memref<6912x16xf32, #tpu.memory_space<vmem>> -> memref<128x16xf32, #tpu.memory_space<vmem>>
      %dma_wait3A_433 = arith.constant 0 : i32
      %dma_wait3A_434 = tpu.memref_slice %arg5[%add3A_93, %dma_wait3A_433] : memref<54x128xi32, #tpu.memory_space<vmem>> -> memref<1x128xi32, #tpu.memory_space<vmem>>
      %dma_wait3A_435 = tpu.memref_squeeze %dma_wait3A_434 : memref<1x128xi32, #tpu.memory_space<vmem>> -> memref<128xi32, #tpu.memory_space<vmem>>
      %dma_wait3A_436 = arith.constant 0 : i32
      %dma_wait3A_437 = arith.constant 0 : i32
      %dma_wait3A_438 = tpu.memref_slice %arg2[%dma_wait3A_436, %dma_wait3A_437] : memref<884736x16xf32, #tpu.memory_space<hbm>> -> memref<884736x16xf32, #tpu.memory_space<hbm>>
      tpu.wait_indirect_dma semaphore(%arg7 : memref<!tpu.dma_semaphore, #tpu.memory_space<semaphore_mem>>) src(%dma_wait3A_438 : memref<884736x16xf32, #tpu.memory_space<hbm>>) dst(%dma_wait3A_432 : memref<128x16xf32, #tpu.memory_space<vmem>>)
      %dma_wait3A_439 = arith.constant 0 : i32
      %dma_wait3A_440 = tpu.memref_slice %arg6[%mul3A_109, %dma_wait3A_439] : memref<6912x16xf32, #tpu.memory_space<vmem>> -> memref<128x16xf32, #tpu.memory_space<vmem>>
      %dma_wait3A_441 = arith.constant 0 : i32
      %dma_wait3A_442 = tpu.memref_slice %arg5[%add3A_107, %dma_wait3A_441] : memref<54x128xi32, #tpu.memory_space<vmem>> -> memref<1x128xi32, #tpu.memory_space<vmem>>
      %dma_wait3A_443 = tpu.memref_squeeze %dma_wait3A_442 : memref<1x128xi32, #tpu.memory_space<vmem>> -> memref<128xi32, #tpu.memory_space<vmem>>
      %dma_wait3A_444 = arith.constant 0 : i32
      %dma_wait3A_445 = arith.constant 0 : i32
      %dma_wait3A_446 = tpu.memref_slice %arg2[%dma_wait3A_444, %dma_wait3A_445] : memref<884736x16xf32, #tpu.memory_space<hbm>> -> memref<884736x16xf32, #tpu.memory_space<hbm>>
      tpu.wait_indirect_dma semaphore(%arg7 : memref<!tpu.dma_semaphore, #tpu.memory_space<semaphore_mem>>) src(%dma_wait3A_446 : memref<884736x16xf32, #tpu.memory_space<hbm>>) dst(%dma_wait3A_440 : memref<128x16xf32, #tpu.memory_space<vmem>>)
      %dma_wait3A_447 = arith.constant 0 : i32
      %dma_wait3A_448 = tpu.memref_slice %arg6[%mul3A_123, %dma_wait3A_447] : memref<6912x16xf32, #tpu.memory_space<vmem>> -> memref<128x16xf32, #tpu.memory_space<vmem>>
      %dma_wait3A_449 = arith.constant 0 : i32
      %dma_wait3A_450 = tpu.memref_slice %arg5[%add3A_121, %dma_wait3A_449] : memref<54x128xi32, #tpu.memory_space<vmem>> -> memref<1x128xi32, #tpu.memory_space<vmem>>
      %dma_wait3A_451 = tpu.memref_squeeze %dma_wait3A_450 : memref<1x128xi32, #tpu.memory_space<vmem>> -> memref<128xi32, #tpu.memory_space<vmem>>
      %dma_wait3A_452 = arith.constant 0 : i32
      %dma_wait3A_453 = arith.constant 0 : i32
      %dma_wait3A_454 = tpu.memref_slice %arg2[%dma_wait3A_452, %dma_wait3A_453] : memref<884736x16xf32, #tpu.memory_space<hbm>> -> memref<884736x16xf32, #tpu.memory_space<hbm>>
      tpu.wait_indirect_dma semaphore(%arg7 : memref<!tpu.dma_semaphore, #tpu.memory_space<semaphore_mem>>) src(%dma_wait3A_454 : memref<884736x16xf32, #tpu.memory_space<hbm>>) dst(%dma_wait3A_448 : memref<128x16xf32, #tpu.memory_space<vmem>>)
      %dma_wait3A_455 = arith.constant 0 : i32
      %dma_wait3A_456 = tpu.memref_slice %arg6[%mul3A_137, %dma_wait3A_455] : memref<6912x16xf32, #tpu.memory_space<vmem>> -> memref<128x16xf32, #tpu.memory_space<vmem>>
      %dma_wait3A_457 = arith.constant 0 : i32
      %dma_wait3A_458 = tpu.memref_slice %arg5[%add3A_135, %dma_wait3A_457] : memref<54x128xi32, #tpu.memory_space<vmem>> -> memref<1x128xi32, #tpu.memory_space<vmem>>
      %dma_wait3A_459 = tpu.memref_squeeze %dma_wait3A_458 : memref<1x128xi32, #tpu.memory_space<vmem>> -> memref<128xi32, #tpu.memory_space<vmem>>
      %dma_wait3A_460 = arith.constant 0 : i32
      %dma_wait3A_461 = arith.constant 0 : i32
      %dma_wait3A_462 = tpu.memref_slice %arg2[%dma_wait3A_460, %dma_wait3A_461] : memref<884736x16xf32, #tpu.memory_space<hbm>> -> memref<884736x16xf32, #tpu.memory_space<hbm>>
      tpu.wait_indirect_dma semaphore(%arg7 : memref<!tpu.dma_semaphore, #tpu.memory_space<semaphore_mem>>) src(%dma_wait3A_462 : memref<884736x16xf32, #tpu.memory_space<hbm>>) dst(%dma_wait3A_456 : memref<128x16xf32, #tpu.memory_space<vmem>>)
      %dma_wait3A_463 = arith.constant 0 : i32
      %dma_wait3A_464 = tpu.memref_slice %arg6[%mul3A_151, %dma_wait3A_463] : memref<6912x16xf32, #tpu.memory_space<vmem>> -> memref<128x16xf32, #tpu.memory_space<vmem>>
      %dma_wait3A_465 = arith.constant 0 : i32
      %dma_wait3A_466 = tpu.memref_slice %arg5[%add3A_149, %dma_wait3A_465] : memref<54x128xi32, #tpu.memory_space<vmem>> -> memref<1x128xi32, #tpu.memory_space<vmem>>
      %dma_wait3A_467 = tpu.memref_squeeze %dma_wait3A_466 : memref<1x128xi32, #tpu.memory_space<vmem>> -> memref<128xi32, #tpu.memory_space<vmem>>
      %dma_wait3A_468 = arith.constant 0 : i32
      %dma_wait3A_469 = arith.constant 0 : i32
      %dma_wait3A_470 = tpu.memref_slice %arg2[%dma_wait3A_468, %dma_wait3A_469] : memref<884736x16xf32, #tpu.memory_space<hbm>> -> memref<884736x16xf32, #tpu.memory_space<hbm>>
      tpu.wait_indirect_dma semaphore(%arg7 : memref<!tpu.dma_semaphore, #tpu.memory_space<semaphore_mem>>) src(%dma_wait3A_470 : memref<884736x16xf32, #tpu.memory_space<hbm>>) dst(%dma_wait3A_464 : memref<128x16xf32, #tpu.memory_space<vmem>>)
      %dma_wait3A_471 = arith.constant 0 : i32
      %dma_wait3A_472 = tpu.memref_slice %arg6[%mul3A_165, %dma_wait3A_471] : memref<6912x16xf32, #tpu.memory_space<vmem>> -> memref<128x16xf32, #tpu.memory_space<vmem>>
      %dma_wait3A_473 = arith.constant 0 : i32
      %dma_wait3A_474 = tpu.memref_slice %arg5[%add3A_163, %dma_wait3A_473] : memref<54x128xi32, #tpu.memory_space<vmem>> -> memref<1x128xi32, #tpu.memory_space<vmem>>
      %dma_wait3A_475 = tpu.memref_squeeze %dma_wait3A_474 : memref<1x128xi32, #tpu.memory_space<vmem>> -> memref<128xi32, #tpu.memory_space<vmem>>
      %dma_wait3A_476 = arith.constant 0 : i32
      %dma_wait3A_477 = arith.constant 0 : i32
      %dma_wait3A_478 = tpu.memref_slice %arg2[%dma_wait3A_476, %dma_wait3A_477] : memref<884736x16xf32, #tpu.memory_space<hbm>> -> memref<884736x16xf32, #tpu.memory_space<hbm>>
      tpu.wait_indirect_dma semaphore(%arg7 : memref<!tpu.dma_semaphore, #tpu.memory_space<semaphore_mem>>) src(%dma_wait3A_478 : memref<884736x16xf32, #tpu.memory_space<hbm>>) dst(%dma_wait3A_472 : memref<128x16xf32, #tpu.memory_space<vmem>>)
      %dma_wait3A_479 = arith.constant 0 : i32
      %dma_wait3A_480 = tpu.memref_slice %arg6[%mul3A_179, %dma_wait3A_479] : memref<6912x16xf32, #tpu.memory_space<vmem>> -> memref<128x16xf32, #tpu.memory_space<vmem>>
      %dma_wait3A_481 = arith.constant 0 : i32
      %dma_wait3A_482 = tpu.memref_slice %arg5[%add3A_177, %dma_wait3A_481] : memref<54x128xi32, #tpu.memory_space<vmem>> -> memref<1x128xi32, #tpu.memory_space<vmem>>
      %dma_wait3A_483 = tpu.memref_squeeze %dma_wait3A_482 : memref<1x128xi32, #tpu.memory_space<vmem>> -> memref<128xi32, #tpu.memory_space<vmem>>
      %dma_wait3A_484 = arith.constant 0 : i32
      %dma_wait3A_485 = arith.constant 0 : i32
      %dma_wait3A_486 = tpu.memref_slice %arg2[%dma_wait3A_484, %dma_wait3A_485] : memref<884736x16xf32, #tpu.memory_space<hbm>> -> memref<884736x16xf32, #tpu.memory_space<hbm>>
      tpu.wait_indirect_dma semaphore(%arg7 : memref<!tpu.dma_semaphore, #tpu.memory_space<semaphore_mem>>) src(%dma_wait3A_486 : memref<884736x16xf32, #tpu.memory_space<hbm>>) dst(%dma_wait3A_480 : memref<128x16xf32, #tpu.memory_space<vmem>>)
      %dma_wait3A_487 = arith.constant 0 : i32
      %dma_wait3A_488 = tpu.memref_slice %arg6[%mul3A_193, %dma_wait3A_487] : memref<6912x16xf32, #tpu.memory_space<vmem>> -> memref<128x16xf32, #tpu.memory_space<vmem>>
      %dma_wait3A_489 = arith.constant 0 : i32
      %dma_wait3A_490 = tpu.memref_slice %arg5[%add3A_191, %dma_wait3A_489] : memref<54x128xi32, #tpu.memory_space<vmem>> -> memref<1x128xi32, #tpu.memory_space<vmem>>
      %dma_wait3A_491 = tpu.memref_squeeze %dma_wait3A_490 : memref<1x128xi32, #tpu.memory_space<vmem>> -> memref<128xi32, #tpu.memory_space<vmem>>
      %dma_wait3A_492 = arith.constant 0 : i32
      %dma_wait3A_493 = arith.constant 0 : i32
      %dma_wait3A_494 = tpu.memref_slice %arg2[%dma_wait3A_492, %dma_wait3A_493] : memref<884736x16xf32, #tpu.memory_space<hbm>> -> memref<884736x16xf32, #tpu.memory_space<hbm>>
      tpu.wait_indirect_dma semaphore(%arg7 : memref<!tpu.dma_semaphore, #tpu.memory_space<semaphore_mem>>) src(%dma_wait3A_494 : memref<884736x16xf32, #tpu.memory_space<hbm>>) dst(%dma_wait3A_488 : memref<128x16xf32, #tpu.memory_space<vmem>>)
      %dma_wait3A_495 = arith.constant 0 : i32
      %dma_wait3A_496 = tpu.memref_slice %arg6[%mul3A_207, %dma_wait3A_495] : memref<6912x16xf32, #tpu.memory_space<vmem>> -> memref<128x16xf32, #tpu.memory_space<vmem>>
      %dma_wait3A_497 = arith.constant 0 : i32
      %dma_wait3A_498 = tpu.memref_slice %arg5[%add3A_205, %dma_wait3A_497] : memref<54x128xi32, #tpu.memory_space<vmem>> -> memref<1x128xi32, #tpu.memory_space<vmem>>
      %dma_wait3A_499 = tpu.memref_squeeze %dma_wait3A_498 : memref<1x128xi32, #tpu.memory_space<vmem>> -> memref<128xi32, #tpu.memory_space<vmem>>
      %dma_wait3A_500 = arith.constant 0 : i32
      %dma_wait3A_501 = arith.constant 0 : i32
      %dma_wait3A_502 = tpu.memref_slice %arg2[%dma_wait3A_500, %dma_wait3A_501] : memref<884736x16xf32, #tpu.memory_space<hbm>> -> memref<884736x16xf32, #tpu.memory_space<hbm>>
      tpu.wait_indirect_dma semaphore(%arg7 : memref<!tpu.dma_semaphore, #tpu.memory_space<semaphore_mem>>) src(%dma_wait3A_502 : memref<884736x16xf32, #tpu.memory_space<hbm>>) dst(%dma_wait3A_496 : memref<128x16xf32, #tpu.memory_space<vmem>>)
      %dma_wait3A_503 = arith.constant 0 : i32
      %dma_wait3A_504 = tpu.memref_slice %arg6[%mul3A_221, %dma_wait3A_503] : memref<6912x16xf32, #tpu.memory_space<vmem>> -> memref<128x16xf32, #tpu.memory_space<vmem>>
      %dma_wait3A_505 = arith.constant 0 : i32
      %dma_wait3A_506 = tpu.memref_slice %arg5[%add3A_219, %dma_wait3A_505] : memref<54x128xi32, #tpu.memory_space<vmem>> -> memref<1x128xi32, #tpu.memory_space<vmem>>
      %dma_wait3A_507 = tpu.memref_squeeze %dma_wait3A_506 : memref<1x128xi32, #tpu.memory_space<vmem>> -> memref<128xi32, #tpu.memory_space<vmem>>
      %dma_wait3A_508 = arith.constant 0 : i32
      %dma_wait3A_509 = arith.constant 0 : i32
      %dma_wait3A_510 = tpu.memref_slice %arg2[%dma_wait3A_508, %dma_wait3A_509] : memref<884736x16xf32, #tpu.memory_space<hbm>> -> memref<884736x16xf32, #tpu.memory_space<hbm>>
      tpu.wait_indirect_dma semaphore(%arg7 : memref<!tpu.dma_semaphore, #tpu.memory_space<semaphore_mem>>) src(%dma_wait3A_510 : memref<884736x16xf32, #tpu.memory_space<hbm>>) dst(%dma_wait3A_504 : memref<128x16xf32, #tpu.memory_space<vmem>>)
      %dma_wait3A_511 = arith.constant 0 : i32
      %dma_wait3A_512 = tpu.memref_slice %arg6[%mul3A_235, %dma_wait3A_511] : memref<6912x16xf32, #tpu.memory_space<vmem>> -> memref<128x16xf32, #tpu.memory_space<vmem>>
      %dma_wait3A_513 = arith.constant 0 : i32
      %dma_wait3A_514 = tpu.memref_slice %arg5[%add3A_233, %dma_wait3A_513] : memref<54x128xi32, #tpu.memory_space<vmem>> -> memref<1x128xi32, #tpu.memory_space<vmem>>
      %dma_wait3A_515 = tpu.memref_squeeze %dma_wait3A_514 : memref<1x128xi32, #tpu.memory_space<vmem>> -> memref<128xi32, #tpu.memory_space<vmem>>
      %dma_wait3A_516 = arith.constant 0 : i32
      %dma_wait3A_517 = arith.constant 0 : i32
      %dma_wait3A_518 = tpu.memref_slice %arg2[%dma_wait3A_516, %dma_wait3A_517] : memref<884736x16xf32, #tpu.memory_space<hbm>> -> memref<884736x16xf32, #tpu.memory_space<hbm>>
      tpu.wait_indirect_dma semaphore(%arg7 : memref<!tpu.dma_semaphore, #tpu.memory_space<semaphore_mem>>) src(%dma_wait3A_518 : memref<884736x16xf32, #tpu.memory_space<hbm>>) dst(%dma_wait3A_512 : memref<128x16xf32, #tpu.memory_space<vmem>>)
      %dma_wait3A_519 = arith.constant 0 : i32
      %dma_wait3A_520 = tpu.memref_slice %arg6[%mul3A_249, %dma_wait3A_519] : memref<6912x16xf32, #tpu.memory_space<vmem>> -> memref<128x16xf32, #tpu.memory_space<vmem>>
      %dma_wait3A_521 = arith.constant 0 : i32
      %dma_wait3A_522 = tpu.memref_slice %arg5[%add3A_247, %dma_wait3A_521] : memref<54x128xi32, #tpu.memory_space<vmem>> -> memref<1x128xi32, #tpu.memory_space<vmem>>
      %dma_wait3A_523 = tpu.memref_squeeze %dma_wait3A_522 : memref<1x128xi32, #tpu.memory_space<vmem>> -> memref<128xi32, #tpu.memory_space<vmem>>
      %dma_wait3A_524 = arith.constant 0 : i32
      %dma_wait3A_525 = arith.constant 0 : i32
      %dma_wait3A_526 = tpu.memref_slice %arg2[%dma_wait3A_524, %dma_wait3A_525] : memref<884736x16xf32, #tpu.memory_space<hbm>> -> memref<884736x16xf32, #tpu.memory_space<hbm>>
      tpu.wait_indirect_dma semaphore(%arg7 : memref<!tpu.dma_semaphore, #tpu.memory_space<semaphore_mem>>) src(%dma_wait3A_526 : memref<884736x16xf32, #tpu.memory_space<hbm>>) dst(%dma_wait3A_520 : memref<128x16xf32, #tpu.memory_space<vmem>>)
      %dma_wait3A_527 = arith.constant 0 : i32
      %dma_wait3A_528 = tpu.memref_slice %arg6[%mul3A_263, %dma_wait3A_527] : memref<6912x16xf32, #tpu.memory_space<vmem>> -> memref<128x16xf32, #tpu.memory_space<vmem>>
      %dma_wait3A_529 = arith.constant 0 : i32
      %dma_wait3A_530 = tpu.memref_slice %arg5[%add3A_261, %dma_wait3A_529] : memref<54x128xi32, #tpu.memory_space<vmem>> -> memref<1x128xi32, #tpu.memory_space<vmem>>
      %dma_wait3A_531 = tpu.memref_squeeze %dma_wait3A_530 : memref<1x128xi32, #tpu.memory_space<vmem>> -> memref<128xi32, #tpu.memory_space<vmem>>
      %dma_wait3A_532 = arith.constant 0 : i32
      %dma_wait3A_533 = arith.constant 0 : i32
      %dma_wait3A_534 = tpu.memref_slice %arg2[%dma_wait3A_532, %dma_wait3A_533] : memref<884736x16xf32, #tpu.memory_space<hbm>> -> memref<884736x16xf32, #tpu.memory_space<hbm>>
      tpu.wait_indirect_dma semaphore(%arg7 : memref<!tpu.dma_semaphore, #tpu.memory_space<semaphore_mem>>) src(%dma_wait3A_534 : memref<884736x16xf32, #tpu.memory_space<hbm>>) dst(%dma_wait3A_528 : memref<128x16xf32, #tpu.memory_space<vmem>>)
      %dma_wait3A_535 = arith.constant 0 : i32
      %dma_wait3A_536 = tpu.memref_slice %arg6[%mul3A_277, %dma_wait3A_535] : memref<6912x16xf32, #tpu.memory_space<vmem>> -> memref<128x16xf32, #tpu.memory_space<vmem>>
      %dma_wait3A_537 = arith.constant 0 : i32
      %dma_wait3A_538 = tpu.memref_slice %arg5[%add3A_275, %dma_wait3A_537] : memref<54x128xi32, #tpu.memory_space<vmem>> -> memref<1x128xi32, #tpu.memory_space<vmem>>
      %dma_wait3A_539 = tpu.memref_squeeze %dma_wait3A_538 : memref<1x128xi32, #tpu.memory_space<vmem>> -> memref<128xi32, #tpu.memory_space<vmem>>
      %dma_wait3A_540 = arith.constant 0 : i32
      %dma_wait3A_541 = arith.constant 0 : i32
      %dma_wait3A_542 = tpu.memref_slice %arg2[%dma_wait3A_540, %dma_wait3A_541] : memref<884736x16xf32, #tpu.memory_space<hbm>> -> memref<884736x16xf32, #tpu.memory_space<hbm>>
      tpu.wait_indirect_dma semaphore(%arg7 : memref<!tpu.dma_semaphore, #tpu.memory_space<semaphore_mem>>) src(%dma_wait3A_542 : memref<884736x16xf32, #tpu.memory_space<hbm>>) dst(%dma_wait3A_536 : memref<128x16xf32, #tpu.memory_space<vmem>>)
      %dma_wait3A_543 = arith.constant 0 : i32
      %dma_wait3A_544 = tpu.memref_slice %arg6[%mul3A_291, %dma_wait3A_543] : memref<6912x16xf32, #tpu.memory_space<vmem>> -> memref<128x16xf32, #tpu.memory_space<vmem>>
      %dma_wait3A_545 = arith.constant 0 : i32
      %dma_wait3A_546 = tpu.memref_slice %arg5[%add3A_289, %dma_wait3A_545] : memref<54x128xi32, #tpu.memory_space<vmem>> -> memref<1x128xi32, #tpu.memory_space<vmem>>
      %dma_wait3A_547 = tpu.memref_squeeze %dma_wait3A_546 : memref<1x128xi32, #tpu.memory_space<vmem>> -> memref<128xi32, #tpu.memory_space<vmem>>
      %dma_wait3A_548 = arith.constant 0 : i32
      %dma_wait3A_549 = arith.constant 0 : i32
      %dma_wait3A_550 = tpu.memref_slice %arg2[%dma_wait3A_548, %dma_wait3A_549] : memref<884736x16xf32, #tpu.memory_space<hbm>> -> memref<884736x16xf32, #tpu.memory_space<hbm>>
      tpu.wait_indirect_dma semaphore(%arg7 : memref<!tpu.dma_semaphore, #tpu.memory_space<semaphore_mem>>) src(%dma_wait3A_550 : memref<884736x16xf32, #tpu.memory_space<hbm>>) dst(%dma_wait3A_544 : memref<128x16xf32, #tpu.memory_space<vmem>>)
      %dma_wait3A_551 = arith.constant 0 : i32
      %dma_wait3A_552 = tpu.memref_slice %arg6[%mul3A_305, %dma_wait3A_551] : memref<6912x16xf32, #tpu.memory_space<vmem>> -> memref<128x16xf32, #tpu.memory_space<vmem>>
      %dma_wait3A_553 = arith.constant 0 : i32
      %dma_wait3A_554 = tpu.memref_slice %arg5[%add3A_303, %dma_wait3A_553] : memref<54x128xi32, #tpu.memory_space<vmem>> -> memref<1x128xi32, #tpu.memory_space<vmem>>
      %dma_wait3A_555 = tpu.memref_squeeze %dma_wait3A_554 : memref<1x128xi32, #tpu.memory_space<vmem>> -> memref<128xi32, #tpu.memory_space<vmem>>
      %dma_wait3A_556 = arith.constant 0 : i32
      %dma_wait3A_557 = arith.constant 0 : i32
      %dma_wait3A_558 = tpu.memref_slice %arg2[%dma_wait3A_556, %dma_wait3A_557] : memref<884736x16xf32, #tpu.memory_space<hbm>> -> memref<884736x16xf32, #tpu.memory_space<hbm>>
      tpu.wait_indirect_dma semaphore(%arg7 : memref<!tpu.dma_semaphore, #tpu.memory_space<semaphore_mem>>) src(%dma_wait3A_558 : memref<884736x16xf32, #tpu.memory_space<hbm>>) dst(%dma_wait3A_552 : memref<128x16xf32, #tpu.memory_space<vmem>>)
      %dma_wait3A_559 = arith.constant 0 : i32
      %dma_wait3A_560 = tpu.memref_slice %arg6[%mul3A_319, %dma_wait3A_559] : memref<6912x16xf32, #tpu.memory_space<vmem>> -> memref<128x16xf32, #tpu.memory_space<vmem>>
      %dma_wait3A_561 = arith.constant 0 : i32
      %dma_wait3A_562 = tpu.memref_slice %arg5[%add3A_317, %dma_wait3A_561] : memref<54x128xi32, #tpu.memory_space<vmem>> -> memref<1x128xi32, #tpu.memory_space<vmem>>
      %dma_wait3A_563 = tpu.memref_squeeze %dma_wait3A_562 : memref<1x128xi32, #tpu.memory_space<vmem>> -> memref<128xi32, #tpu.memory_space<vmem>>
      %dma_wait3A_564 = arith.constant 0 : i32
      %dma_wait3A_565 = arith.constant 0 : i32
      %dma_wait3A_566 = tpu.memref_slice %arg2[%dma_wait3A_564, %dma_wait3A_565] : memref<884736x16xf32, #tpu.memory_space<hbm>> -> memref<884736x16xf32, #tpu.memory_space<hbm>>
      tpu.wait_indirect_dma semaphore(%arg7 : memref<!tpu.dma_semaphore, #tpu.memory_space<semaphore_mem>>) src(%dma_wait3A_566 : memref<884736x16xf32, #tpu.memory_space<hbm>>) dst(%dma_wait3A_560 : memref<128x16xf32, #tpu.memory_space<vmem>>)
      %dma_wait3A_567 = arith.constant 0 : i32
      %dma_wait3A_568 = tpu.memref_slice %arg6[%mul3A_333, %dma_wait3A_567] : memref<6912x16xf32, #tpu.memory_space<vmem>> -> memref<128x16xf32, #tpu.memory_space<vmem>>
      %dma_wait3A_569 = arith.constant 0 : i32
      %dma_wait3A_570 = tpu.memref_slice %arg5[%add3A_331, %dma_wait3A_569] : memref<54x128xi32, #tpu.memory_space<vmem>> -> memref<1x128xi32, #tpu.memory_space<vmem>>
      %dma_wait3A_571 = tpu.memref_squeeze %dma_wait3A_570 : memref<1x128xi32, #tpu.memory_space<vmem>> -> memref<128xi32, #tpu.memory_space<vmem>>
      %dma_wait3A_572 = arith.constant 0 : i32
      %dma_wait3A_573 = arith.constant 0 : i32
      %dma_wait3A_574 = tpu.memref_slice %arg2[%dma_wait3A_572, %dma_wait3A_573] : memref<884736x16xf32, #tpu.memory_space<hbm>> -> memref<884736x16xf32, #tpu.memory_space<hbm>>
      tpu.wait_indirect_dma semaphore(%arg7 : memref<!tpu.dma_semaphore, #tpu.memory_space<semaphore_mem>>) src(%dma_wait3A_574 : memref<884736x16xf32, #tpu.memory_space<hbm>>) dst(%dma_wait3A_568 : memref<128x16xf32, #tpu.memory_space<vmem>>)
      %dma_wait3A_575 = arith.constant 0 : i32
      %dma_wait3A_576 = tpu.memref_slice %arg6[%mul3A_347, %dma_wait3A_575] : memref<6912x16xf32, #tpu.memory_space<vmem>> -> memref<128x16xf32, #tpu.memory_space<vmem>>
      %dma_wait3A_577 = arith.constant 0 : i32
      %dma_wait3A_578 = tpu.memref_slice %arg5[%add3A_345, %dma_wait3A_577] : memref<54x128xi32, #tpu.memory_space<vmem>> -> memref<1x128xi32, #tpu.memory_space<vmem>>
      %dma_wait3A_579 = tpu.memref_squeeze %dma_wait3A_578 : memref<1x128xi32, #tpu.memory_space<vmem>> -> memref<128xi32, #tpu.memory_space<vmem>>
      %dma_wait3A_580 = arith.constant 0 : i32
      %dma_wait3A_581 = arith.constant 0 : i32
      %dma_wait3A_582 = tpu.memref_slice %arg2[%dma_wait3A_580, %dma_wait3A_581] : memref<884736x16xf32, #tpu.memory_space<hbm>> -> memref<884736x16xf32, #tpu.memory_space<hbm>>
      tpu.wait_indirect_dma semaphore(%arg7 : memref<!tpu.dma_semaphore, #tpu.memory_space<semaphore_mem>>) src(%dma_wait3A_582 : memref<884736x16xf32, #tpu.memory_space<hbm>>) dst(%dma_wait3A_576 : memref<128x16xf32, #tpu.memory_space<vmem>>)
      %dma_wait3A_583 = arith.constant 0 : i32
      %dma_wait3A_584 = tpu.memref_slice %arg6[%mul3A_361, %dma_wait3A_583] : memref<6912x16xf32, #tpu.memory_space<vmem>> -> memref<128x16xf32, #tpu.memory_space<vmem>>
      %dma_wait3A_585 = arith.constant 0 : i32
      %dma_wait3A_586 = tpu.memref_slice %arg5[%add3A_359, %dma_wait3A_585] : memref<54x128xi32, #tpu.memory_space<vmem>> -> memref<1x128xi32, #tpu.memory_space<vmem>>
      %dma_wait3A_587 = tpu.memref_squeeze %dma_wait3A_586 : memref<1x128xi32, #tpu.memory_space<vmem>> -> memref<128xi32, #tpu.memory_space<vmem>>
      %dma_wait3A_588 = arith.constant 0 : i32
      %dma_wait3A_589 = arith.constant 0 : i32
      %dma_wait3A_590 = tpu.memref_slice %arg2[%dma_wait3A_588, %dma_wait3A_589] : memref<884736x16xf32, #tpu.memory_space<hbm>> -> memref<884736x16xf32, #tpu.memory_space<hbm>>
      tpu.wait_indirect_dma semaphore(%arg7 : memref<!tpu.dma_semaphore, #tpu.memory_space<semaphore_mem>>) src(%dma_wait3A_590 : memref<884736x16xf32, #tpu.memory_space<hbm>>) dst(%dma_wait3A_584 : memref<128x16xf32, #tpu.memory_space<vmem>>)
      %dma_wait3A_591 = arith.constant 0 : i32
      %dma_wait3A_592 = tpu.memref_slice %arg6[%mul3A_375, %dma_wait3A_591] : memref<6912x16xf32, #tpu.memory_space<vmem>> -> memref<128x16xf32, #tpu.memory_space<vmem>>
      %dma_wait3A_593 = arith.constant 0 : i32
      %dma_wait3A_594 = tpu.memref_slice %arg5[%add3A_373, %dma_wait3A_593] : memref<54x128xi32, #tpu.memory_space<vmem>> -> memref<1x128xi32, #tpu.memory_space<vmem>>
      %dma_wait3A_595 = tpu.memref_squeeze %dma_wait3A_594 : memref<1x128xi32, #tpu.memory_space<vmem>> -> memref<128xi32, #tpu.memory_space<vmem>>
      %dma_wait3A_596 = arith.constant 0 : i32
      %dma_wait3A_597 = arith.constant 0 : i32
      %dma_wait3A_598 = tpu.memref_slice %arg2[%dma_wait3A_596, %dma_wait3A_597] : memref<884736x16xf32, #tpu.memory_space<hbm>> -> memref<884736x16xf32, #tpu.memory_space<hbm>>
      tpu.wait_indirect_dma semaphore(%arg7 : memref<!tpu.dma_semaphore, #tpu.memory_space<semaphore_mem>>) src(%dma_wait3A_598 : memref<884736x16xf32, #tpu.memory_space<hbm>>) dst(%dma_wait3A_592 : memref<128x16xf32, #tpu.memory_space<vmem>>)
    }
    %scan3A_5 = arith.constant 2 : i32
    "tpu.region"() ({
      %run_scoped3A = tpu.sem_alloc : memref<!tpu.dma_semaphore, #tpu.memory_space<semaphore_mem>>
      %dma_start3A = arith.constant 0 : i32
      %dma_start3A_6 = arith.constant 0 : i32
      %dma_start3A_7 = tpu.memref_slice %arg4[%add3A, %dma_start3A, %dma_start3A_6] : memref<32x6912x16xf32, #tpu.memory_space<hbm>> -> memref<1x6912x16xf32, #tpu.memory_space<hbm>>
      %dma_start3A_8 = tpu.memref_squeeze %dma_start3A_7 : memref<1x6912x16xf32, #tpu.memory_space<hbm>> -> memref<6912x16xf32, #tpu.memory_space<hbm>>
      %dma_start3A_9 = arith.constant 0 : i32
      %dma_start3A_10 = arith.constant 0 : i32
      %dma_start3A_11 = tpu.memref_slice %arg4[%add3A, %dma_start3A_9, %dma_start3A_10] : memref<32x6912x16xf32, #tpu.memory_space<hbm>> -> memref<1x6912x16xf32, #tpu.memory_space<hbm>>
      %dma_start3A_12 = tpu.memref_squeeze %dma_start3A_11 : memref<1x6912x16xf32, #tpu.memory_space<hbm>> -> memref<6912x16xf32, #tpu.memory_space<hbm>>
      tpu.enqueue_dma source(%arg6 : memref<6912x16xf32, #tpu.memory_space<vmem>>) target(%dma_start3A_12 : memref<6912x16xf32, #tpu.memory_space<hbm>>) target_semaphore(%run_scoped3A : memref<!tpu.dma_semaphore, #tpu.memory_space<semaphore_mem>>)
      %dma_wait3A = arith.constant 0 : i32
      %dma_wait3A_13 = arith.constant 0 : i32
      %dma_wait3A_14 = tpu.memref_slice %arg4[%add3A, %dma_wait3A, %dma_wait3A_13] : memref<32x6912x16xf32, #tpu.memory_space<hbm>> -> memref<1x6912x16xf32, #tpu.memory_space<hbm>>
      %dma_wait3A_15 = tpu.memref_squeeze %dma_wait3A_14 : memref<1x6912x16xf32, #tpu.memory_space<hbm>> -> memref<6912x16xf32, #tpu.memory_space<hbm>>
      %dma_wait3A_16 = arith.constant 0 : i32
      %dma_wait3A_17 = arith.constant 0 : i32
      %dma_wait3A_18 = tpu.memref_slice %arg4[%add3A, %dma_wait3A_16, %dma_wait3A_17] : memref<32x6912x16xf32, #tpu.memory_space<hbm>> -> memref<1x6912x16xf32, #tpu.memory_space<hbm>>
      %dma_wait3A_19 = tpu.memref_squeeze %dma_wait3A_18 : memref<1x6912x16xf32, #tpu.memory_space<hbm>> -> memref<6912x16xf32, #tpu.memory_space<hbm>>
      tpu.wait_dma2 semaphore(%run_scoped3A : memref<!tpu.dma_semaphore, #tpu.memory_space<semaphore_mem>>) src(%arg6 : memref<6912x16xf32, #tpu.memory_space<vmem>>) dst(%dma_wait3A_19 : memref<6912x16xf32, #tpu.memory_space<hbm>>)
      tpu.yield
    }) : () -> ()
    return
  }
}

module attributes {stable_mosaic.version = 14 : i64} {
  func.func @_a_body(%arg0: i32, %arg1: memref<1x1x576xf32, #tpu.memory_space<vmem>>, %arg2: memref<1x1x4xf32, #tpu.memory_space<vmem>>, %arg3: memref<1x1x4xf32, #tpu.memory_space<vmem>>, %arg4: memref<1x3x384x384xf32, #tpu.memory_space<vmem>>, %arg5: memref<1x1x576xi32, #tpu.memory_space<vmem>>, %arg6: memref<1x1x576xf32, #tpu.memory_space<vmem>>, %arg7: memref<1x144x1xi32, #tpu.memory_space<vmem>>, %arg8: memref<1x144x1xi32, #tpu.memory_space<vmem>>, %arg9: memref<1x144x48xi32, #tpu.memory_space<vmem>>, %arg10: memref<1x1x4xf32, #tpu.memory_space<vmem>>, %arg11: memref<3456x128xf32, #tpu.memory_space<vmem>>) attributes {dimension_semantics = [#tpu.dimension_semantics<arbitrary>], iteration_bounds = array<i64: 32>, scalar_prefetch = 0 : i64, scratch_operands = 0 : i64, tpu.core_type = #tpu.core_type<tc>, window_params = [{transform_indices = @transform_0, window_bounds = array<i64: 1, 1, 576>}, {transform_indices = @transform_1, window_bounds = array<i64: 1, 1, 4>}, {transform_indices = @transform_2, window_bounds = array<i64: 1, 1, 4>}, {transform_indices = @transform_3, window_bounds = array<i64: 1, 3, 384, 384>}, {transform_indices = @transform_4, window_bounds = array<i64: 1, 1, 576>}, {transform_indices = @transform_5, window_bounds = array<i64: 1, 1, 576>}, {transform_indices = @transform_6, window_bounds = array<i64: 1, 144, 1>}, {transform_indices = @transform_7, window_bounds = array<i64: 1, 144, 1>}, {transform_indices = @transform_8, window_bounds = array<i64: 1, 144, 48>}, {transform_indices = @transform_9, window_bounds = array<i64: 1, 1, 4>}, {transform_indices = @transform_10, window_bounds = array<i64: 3456, 128>}]} {
    %get3A = arith.constant 0 : index
    %get3A_0 = arith.constant 0 : index
    %get3A_1 = arith.constant 0 : index
    %get3A_2 = arith.constant 0 : index
    %get3A_3 = vector.load %arg4[%get3A, %get3A_0, %get3A_1, %get3A_2] : memref<1x3x384x384xf32, #tpu.memory_space<vmem>>, vector<1x3x384x384xf32>
    %reshape3A = vector.shape_cast %get3A_3 : vector<1x3x384x384xf32> to vector<3456x128xf32>
    %swap3A = arith.constant 0 : index
    %swap3A_4 = arith.constant 0 : index
    %swap3A_5 = vector.load %arg11[%swap3A, %swap3A_4] : memref<3456x128xf32, #tpu.memory_space<vmem>>, vector<3456x128xf32>
    tpu.vector_store %arg11[%swap3A, %swap3A_4], %reshape3A {strides = array<i32>} : memref<3456x128xf32, #tpu.memory_space<vmem>>, vector<3456x128xf32>,
    %get3A_6 = arith.constant 0 : index
    %get3A_7 = arith.constant 0 : index
    %get3A_8 = arith.constant 0 : index
    %get3A_9 = vector.load %arg2[%get3A_6, %get3A_7, %get3A_8] : memref<1x1x4xf32, #tpu.memory_space<vmem>>, vector<1x1x4xf32>
    %get3A_10 = vector.shape_cast %get3A_9 : vector<1x1x4xf32> to vector<1x4xf32>
    %get3A_11 = arith.constant 0 : index
    %get3A_12 = arith.constant 0 : index
    %get3A_13 = arith.constant 0 : index
    %get3A_14 = vector.load %arg3[%get3A_11, %get3A_12, %get3A_13] : memref<1x1x4xf32, #tpu.memory_space<vmem>>, vector<1x1x4xf32>
    %get3A_15 = vector.shape_cast %get3A_14 : vector<1x1x4xf32> to vector<1x4xf32>
    %mul3A = arith.constant 2.400000e+01 : f32
    %mul3A_16 = vector.broadcast %mul3A : f32 to vector<1x4xf32>
    %mul3A_17 = arith.mulf %get3A_10, %mul3A_16 : vector<1x4xf32>
    %round3A = math.roundeven %mul3A_17 : vector<1x4xf32>
    %div3A = arith.constant 2.400000e+01 : f32
    %div3A_18 = vector.broadcast %div3A : f32 to vector<1x4xf32>
    %div3A_19 = arith.divf %round3A, %div3A_18 : vector<1x4xf32>
    %slice3A = vector.extract_strided_slice %div3A_19 {offsets = [0, 0], sizes = [1, 1], strides = [1, 1]} : vector<1x4xf32> to vector<1x1xf32>
    %jit3A = arith.constant 0.000000e+00 : f32
    %jit3A_20 = arith.constant 0.958333313 : f32
    %max3A = vector.broadcast %jit3A : f32 to vector<1x1xf32>
    %max3A_21 = arith.maximumf %max3A, %slice3A : vector<1x1xf32>
    %min3A = vector.broadcast %jit3A_20 : f32 to vector<1x1xf32>
    %min3A_22 = arith.minimumf %min3A, %max3A_21 : vector<1x1xf32>
    %slice3A_23 = vector.extract_strided_slice %div3A_19 {offsets = [0, 1], sizes = [1, 1], strides = [1, 1]} : vector<1x4xf32> to vector<1x1xf32>
    %jit3A_24 = arith.constant 0.000000e+00 : f32
    %jit3A_25 = arith.constant 0.958333313 : f32
    %max3A_26 = vector.broadcast %jit3A_24 : f32 to vector<1x1xf32>
    %max3A_27 = arith.maximumf %max3A_26, %slice3A_23 : vector<1x1xf32>
    %min3A_28 = vector.broadcast %jit3A_25 : f32 to vector<1x1xf32>
    %min3A_29 = arith.minimumf %min3A_28, %max3A_27 : vector<1x1xf32>
    %slice3A_30 = vector.extract_strided_slice %div3A_19 {offsets = [0, 2], sizes = [1, 1], strides = [1, 1]} : vector<1x4xf32> to vector<1x1xf32>
    %add3A = arith.constant 0.0416666679 : f32
    %add3A_31 = vector.broadcast %add3A : f32 to vector<1x1xf32>
    %add3A_32 = arith.addf %min3A_22, %add3A_31 : vector<1x1xf32>
    %max3A_33 = arith.maximumf %slice3A_30, %add3A_32 : vector<1x1xf32>
    %jit3A_34 = arith.constant 0.000000e+00 : f32
    %jit3A_35 = arith.constant 1.000000e+00 : f32
    %max3A_36 = vector.broadcast %jit3A_34 : f32 to vector<1x1xf32>
    %max3A_37 = arith.maximumf %max3A_36, %max3A_33 : vector<1x1xf32>
    %min3A_38 = vector.broadcast %jit3A_35 : f32 to vector<1x1xf32>
    %min3A_39 = arith.minimumf %min3A_38, %max3A_37 : vector<1x1xf32>
    %slice3A_40 = vector.extract_strided_slice %div3A_19 {offsets = [0, 3], sizes = [1, 1], strides = [1, 1]} : vector<1x4xf32> to vector<1x1xf32>
    %add3A_41 = arith.constant 0.0416666679 : f32
    %add3A_42 = vector.broadcast %add3A_41 : f32 to vector<1x1xf32>
    %add3A_43 = arith.addf %min3A_29, %add3A_42 : vector<1x1xf32>
    %max3A_44 = arith.maximumf %slice3A_40, %add3A_43 : vector<1x1xf32>
    %jit3A_45 = arith.constant 0.000000e+00 : f32
    %jit3A_46 = arith.constant 1.000000e+00 : f32
    %max3A_47 = vector.broadcast %jit3A_45 : f32 to vector<1x1xf32>
    %max3A_48 = arith.maximumf %max3A_47, %max3A_44 : vector<1x1xf32>
    %min3A_49 = vector.broadcast %jit3A_46 : f32 to vector<1x1xf32>
    %min3A_50 = arith.minimumf %min3A_49, %max3A_48 : vector<1x1xf32>
    %sub3A = arith.subf %min3A_39, %min3A_22 : vector<1x1xf32>
    %sub3A_51 = arith.subf %min3A_50, %min3A_29 : vector<1x1xf32>
    %slice3A_52 = vector.extract_strided_slice %get3A_15 {offsets = [0, 0], sizes = [1, 1], strides = [1, 1]} : vector<1x4xf32> to vector<1x1xf32>
    %sub3A_53 = arith.subf %slice3A_52, %min3A_22 : vector<1x1xf32>
    %div3A_54 = arith.divf %sub3A_53, %sub3A : vector<1x1xf32>
    %slice3A_55 = vector.extract_strided_slice %get3A_15 {offsets = [0, 1], sizes = [1, 1], strides = [1, 1]} : vector<1x4xf32> to vector<1x1xf32>
    %sub3A_56 = arith.subf %slice3A_55, %min3A_29 : vector<1x1xf32>
    %div3A_57 = arith.divf %sub3A_56, %sub3A_51 : vector<1x1xf32>
    %slice3A_58 = vector.extract_strided_slice %get3A_15 {offsets = [0, 2], sizes = [1, 1], strides = [1, 1]} : vector<1x4xf32> to vector<1x1xf32>
    %sub3A_59 = arith.subf %slice3A_58, %min3A_22 : vector<1x1xf32>
    %div3A_60 = arith.divf %sub3A_59, %sub3A : vector<1x1xf32>
    %slice3A_61 = vector.extract_strided_slice %get3A_15 {offsets = [0, 3], sizes = [1, 1], strides = [1, 1]} : vector<1x4xf32> to vector<1x1xf32>
    %sub3A_62 = arith.subf %slice3A_61, %min3A_29 : vector<1x1xf32>
    %div3A_63 = arith.divf %sub3A_62, %sub3A_51 : vector<1x1xf32>
    %concatenate3A = tpu.concatenate %div3A_54, %div3A_57, %div3A_60, %div3A_63 in 1 : vector<1x1xf32>, vector<1x1xf32>, vector<1x1xf32>, vector<1x1xf32> -> vector<1x4xf32>
    %jit3A_64 = arith.constant 0.000000e+00 : f32
    %jit3A_65 = arith.constant 1.000000e+00 : f32
    %max3A_66 = vector.broadcast %jit3A_64 : f32 to vector<1x4xf32>
    %max3A_67 = arith.maximumf %max3A_66, %concatenate3A : vector<1x4xf32>
    %min3A_68 = vector.broadcast %jit3A_65 : f32 to vector<1x4xf32>
    %min3A_69 = arith.minimumf %min3A_68, %max3A_67 : vector<1x4xf32>
    %mul3A_70 = arith.constant 2.400000e+01 : f32
    %mul3A_71 = vector.broadcast %mul3A_70 : f32 to vector<1x4xf32>
    %mul3A_72 = arith.mulf %min3A_69, %mul3A_71 : vector<1x4xf32>
    %round3A_73 = math.roundeven %mul3A_72 : vector<1x4xf32>
    %div3A_74 = arith.constant 2.400000e+01 : f32
    %div3A_75 = vector.broadcast %div3A_74 : f32 to vector<1x4xf32>
    %div3A_76 = arith.divf %round3A_73, %div3A_75 : vector<1x4xf32>
    %slice3A_77 = vector.extract_strided_slice %div3A_76 {offsets = [0, 0], sizes = [1, 1], strides = [1, 1]} : vector<1x4xf32> to vector<1x1xf32>
    %jit3A_78 = arith.constant 0.000000e+00 : f32
    %jit3A_79 = arith.constant 0.958333313 : f32
    %max3A_80 = vector.broadcast %jit3A_78 : f32 to vector<1x1xf32>
    %max3A_81 = arith.maximumf %max3A_80, %slice3A_77 : vector<1x1xf32>
    %min3A_82 = vector.broadcast %jit3A_79 : f32 to vector<1x1xf32>
    %min3A_83 = arith.minimumf %min3A_82, %max3A_81 : vector<1x1xf32>
    %slice3A_84 = vector.extract_strided_slice %div3A_76 {offsets = [0, 1], sizes = [1, 1], strides = [1, 1]} : vector<1x4xf32> to vector<1x1xf32>
    %jit3A_85 = arith.constant 0.000000e+00 : f32
    %jit3A_86 = arith.constant 0.958333313 : f32
    %max3A_87 = vector.broadcast %jit3A_85 : f32 to vector<1x1xf32>
    %max3A_88 = arith.maximumf %max3A_87, %slice3A_84 : vector<1x1xf32>
    %min3A_89 = vector.broadcast %jit3A_86 : f32 to vector<1x1xf32>
    %min3A_90 = arith.minimumf %min3A_89, %max3A_88 : vector<1x1xf32>
    %slice3A_91 = vector.extract_strided_slice %div3A_76 {offsets = [0, 2], sizes = [1, 1], strides = [1, 1]} : vector<1x4xf32> to vector<1x1xf32>
    %add3A_92 = arith.constant 0.0416666679 : f32
    %add3A_93 = vector.broadcast %add3A_92 : f32 to vector<1x1xf32>
    %add3A_94 = arith.addf %min3A_83, %add3A_93 : vector<1x1xf32>
    %max3A_95 = arith.maximumf %slice3A_91, %add3A_94 : vector<1x1xf32>
    %jit3A_96 = arith.constant 0.000000e+00 : f32
    %jit3A_97 = arith.constant 1.000000e+00 : f32
    %max3A_98 = vector.broadcast %jit3A_96 : f32 to vector<1x1xf32>
    %max3A_99 = arith.maximumf %max3A_98, %max3A_95 : vector<1x1xf32>
    %min3A_100 = vector.broadcast %jit3A_97 : f32 to vector<1x1xf32>
    %min3A_101 = arith.minimumf %min3A_100, %max3A_99 : vector<1x1xf32>
    %slice3A_102 = vector.extract_strided_slice %div3A_76 {offsets = [0, 3], sizes = [1, 1], strides = [1, 1]} : vector<1x4xf32> to vector<1x1xf32>
    %add3A_103 = arith.constant 0.0416666679 : f32
    %add3A_104 = vector.broadcast %add3A_103 : f32 to vector<1x1xf32>
    %add3A_105 = arith.addf %min3A_90, %add3A_104 : vector<1x1xf32>
    %max3A_106 = arith.maximumf %slice3A_102, %add3A_105 : vector<1x1xf32>
    %jit3A_107 = arith.constant 0.000000e+00 : f32
    %jit3A_108 = arith.constant 1.000000e+00 : f32
    %max3A_109 = vector.broadcast %jit3A_107 : f32 to vector<1x1xf32>
    %max3A_110 = arith.maximumf %max3A_109, %max3A_106 : vector<1x1xf32>
    %min3A_111 = vector.broadcast %jit3A_108 : f32 to vector<1x1xf32>
    %min3A_112 = arith.minimumf %min3A_111, %max3A_110 : vector<1x1xf32>
    %mul3A_113 = arith.mulf %min3A_83, %sub3A : vector<1x1xf32>
    %add3A_114 = arith.addf %mul3A_113, %min3A_22 : vector<1x1xf32>
    %mul3A_115 = arith.mulf %min3A_90, %sub3A_51 : vector<1x1xf32>
    %add3A_116 = arith.addf %mul3A_115, %min3A_29 : vector<1x1xf32>
    %mul3A_117 = arith.mulf %min3A_101, %sub3A : vector<1x1xf32>
    %add3A_118 = arith.addf %mul3A_117, %min3A_22 : vector<1x1xf32>
    %mul3A_119 = arith.mulf %min3A_112, %sub3A_51 : vector<1x1xf32>
    %add3A_120 = arith.addf %mul3A_119, %min3A_29 : vector<1x1xf32>
    %concatenate3A_121 = tpu.concatenate %add3A_114, %add3A_116, %add3A_118, %add3A_120 in 1 : vector<1x1xf32>, vector<1x1xf32>, vector<1x1xf32>, vector<1x1xf32> -> vector<1x4xf32>
    %broadcast_in_dim3A = vector.shape_cast %concatenate3A_121 : vector<1x4xf32> to vector<1x1x4xf32>
    %swap3A_122 = arith.constant 0 : index
    %swap3A_123 = arith.constant 0 : index
    %swap3A_124 = arith.constant 0 : index
    %swap3A_125 = vector.load %arg10[%swap3A_122, %swap3A_123, %swap3A_124] : memref<1x1x4xf32, #tpu.memory_space<vmem>>, vector<1x1x4xf32>
    tpu.vector_store %arg10[%swap3A_122, %swap3A_123, %swap3A_124], %broadcast_in_dim3A {strides = array<i32>} : memref<1x1x4xf32, #tpu.memory_space<vmem>>, vector<1x1x4xf32>,
    %iota3A = tpu.iota {dimensions = array<i32: 1>} : vector<1x576xi32>
    %jit3A_126 = arith.constant 24 : i32
    %div3A_127 = vector.broadcast %jit3A_126 : i32 to vector<1x576xi32>
    %div3A_128 = arith.divsi %iota3A, %div3A_127 : vector<1x576xi32>
    %sign3A = arith.constant 0 : i32
    %sign3A_129 = vector.broadcast %sign3A : i32 to vector<1x576xi32>
    %sign3A_130 = arith.cmpi sgt, %iota3A, %sign3A_129 : vector<1x576xi32>
    %sign3A_131 = arith.extui %sign3A_130 : vector<1x576xi1> to vector<1x576xi32>
    %sign3A_132 = arith.constant 0 : i32
    %sign3A_133 = vector.broadcast %sign3A_132 : i32 to vector<1x576xi32>
    %sign3A_134 = arith.cmpi slt, %iota3A, %sign3A_133 : vector<1x576xi32>
    %sign3A_135 = arith.extui %sign3A_134 : vector<1x576xi1> to vector<1x576xi32>
    %sign3A_136 = arith.subi %sign3A_131, %sign3A_135 : vector<1x576xi32>
    %sign3A_137 = arith.constant 0 : i32
    %sign3A_138 = arith.cmpi sgt, %jit3A_126, %sign3A_137 : i32
    %sign3A_139 = arith.extui %sign3A_138 : i1 to i32
    %sign3A_140 = arith.constant 0 : i32
    %sign3A_141 = arith.cmpi slt, %jit3A_126, %sign3A_140 : i32
    %sign3A_142 = arith.extui %sign3A_141 : i1 to i32
    %sign3A_143 = arith.subi %sign3A_139, %sign3A_142 : i32
    %ne3A = vector.broadcast %sign3A_143 : i32 to vector<1x576xi32>
    %ne3A_144 = arith.cmpi ne, %sign3A_136, %ne3A : vector<1x576xi32>
    %rem3A = vector.broadcast %jit3A_126 : i32 to vector<1x576xi32>
    %rem3A_145 = arith.remsi %iota3A, %rem3A : vector<1x576xi32>
    %ne3A_146 = arith.constant 0 : i32
    %ne3A_147 = vector.broadcast %ne3A_146 : i32 to vector<1x576xi32>
    %ne3A_148 = arith.cmpi ne, %rem3A_145, %ne3A_147 : vector<1x576xi32>
    %and3A = arith.andi %ne3A_144, %ne3A_148 : vector<1x576xi1>
    %sub3A_149 = arith.constant 1 : i32
    %sub3A_150 = vector.broadcast %sub3A_149 : i32 to vector<1x576xi32>
    %sub3A_151 = arith.subi %div3A_128, %sub3A_150 : vector<1x576xi32>
    %select_n3A = arith.select %and3A, %sub3A_151, %div3A_128 : vector<1x576xi1>, vector<1x576xi32>
    %convert_element_type3A = arith.sitofp %select_n3A : vector<1x576xi32> to vector<1x576xf32>
    %jit3A_152 = arith.constant 24 : i32
    %eq3A = arith.constant 0 : i32
    %eq3A_153 = arith.cmpi eq, %jit3A_152, %eq3A : i32
    %jit3A_154 = arith.constant 1 : i32
    %select_n3A_155 = arith.select %eq3A_153, %jit3A_154, %jit3A_152 : i32
    %rem3A_156 = vector.broadcast %select_n3A_155 : i32 to vector<1x576xi32>
    %rem3A_157 = arith.remsi %iota3A, %rem3A_156 : vector<1x576xi32>
    %ne3A_158 = arith.constant 0 : i32
    %ne3A_159 = vector.broadcast %ne3A_158 : i32 to vector<1x576xi32>
    %ne3A_160 = arith.cmpi ne, %rem3A_157, %ne3A_159 : vector<1x576xi32>
    %lt3A = arith.constant 0 : i32
    %lt3A_161 = vector.broadcast %lt3A : i32 to vector<1x576xi32>
    %lt3A_162 = arith.cmpi slt, %rem3A_157, %lt3A_161 : vector<1x576xi32>
    %lt3A_163 = arith.constant 0 : i32
    %lt3A_164 = arith.cmpi slt, %select_n3A_155, %lt3A_163 : i32
    %ne3A_165 = vector.broadcast %lt3A_164 : i1 to vector<1x576xi1>
    %ne3A_166 = vector.broadcast %ne3A_165 : vector<1x576xi1> to vector<1x576xi1>
    %ne3A_167 = arith.xori %lt3A_162, %ne3A_166 : vector<1x576xi1>
    %and3A_168 = arith.andi %ne3A_167, %ne3A_160 : vector<1x576xi1>
    %add3A_169 = vector.broadcast %select_n3A_155 : i32 to vector<1x576xi32>
    %add3A_170 = arith.addi %rem3A_157, %add3A_169 : vector<1x576xi32>
    %select_n3A_171 = arith.select %and3A_168, %add3A_170, %rem3A_157 : vector<1x576xi1>, vector<1x576xi32>
    %convert_element_type3A_172 = arith.sitofp %select_n3A_171 : vector<1x576xi32> to vector<1x576xf32>
    %add3A_173 = arith.constant 5.000000e-01 : f32
    %add3A_174 = vector.broadcast %add3A_173 : f32 to vector<1x576xf32>
    %add3A_175 = arith.addf %convert_element_type3A_172, %add3A_174 : vector<1x576xf32>
    %div3A_176 = arith.constant 2.400000e+01 : f32
    %div3A_177 = vector.broadcast %div3A_176 : f32 to vector<1x576xf32>
    %div3A_178 = arith.divf %add3A_175, %div3A_177 : vector<1x576xf32>
    %add3A_179 = arith.constant 5.000000e-01 : f32
    %add3A_180 = vector.broadcast %add3A_179 : f32 to vector<1x576xf32>
    %add3A_181 = arith.addf %convert_element_type3A, %add3A_180 : vector<1x576xf32>
    %div3A_182 = arith.constant 2.400000e+01 : f32
    %div3A_183 = vector.broadcast %div3A_182 : f32 to vector<1x576xf32>
    %div3A_184 = arith.divf %add3A_181, %div3A_183 : vector<1x576xf32>
    %ge3A = vector.broadcast %min3A_22 : vector<1x1xf32> to vector<1x576xf32>
    %ge3A_185 = arith.cmpf oge, %div3A_178, %ge3A : vector<1x576xf32>
    %lt3A_186 = vector.broadcast %min3A_39 : vector<1x1xf32> to vector<1x576xf32>
    %lt3A_187 = arith.cmpf olt, %div3A_178, %lt3A_186 : vector<1x576xf32>
    %and3A_188 = arith.andi %ge3A_185, %lt3A_187 : vector<1x576xi1>
    %ge3A_189 = vector.broadcast %min3A_29 : vector<1x1xf32> to vector<1x576xf32>
    %ge3A_190 = arith.cmpf oge, %div3A_184, %ge3A_189 : vector<1x576xf32>
    %lt3A_191 = vector.broadcast %min3A_50 : vector<1x1xf32> to vector<1x576xf32>
    %lt3A_192 = arith.cmpf olt, %div3A_184, %lt3A_191 : vector<1x576xf32>
    %and3A_193 = arith.andi %ge3A_190, %lt3A_192 : vector<1x576xi1>
    %sub3A_194 = vector.broadcast %min3A_22 : vector<1x1xf32> to vector<1x576xf32>
    %sub3A_195 = arith.subf %div3A_178, %sub3A_194 : vector<1x576xf32>
    %div3A_196 = vector.broadcast %sub3A : vector<1x1xf32> to vector<1x576xf32>
    %div3A_197 = arith.divf %sub3A_195, %div3A_196 : vector<1x576xf32>
    %mul3A_198 = arith.constant 2.400000e+01 : f32
    %mul3A_199 = vector.broadcast %mul3A_198 : f32 to vector<1x576xf32>
    %mul3A_200 = arith.mulf %div3A_197, %mul3A_199 : vector<1x576xf32>
    %floor3A = math.floor %mul3A_200 : vector<1x576xf32>
    %jit3A_201 = arith.constant 0.000000e+00 : f32
    %jit3A_202 = arith.constant 2.300000e+01 : f32
    %max3A_203 = vector.broadcast %jit3A_201 : f32 to vector<1x576xf32>
    %max3A_204 = arith.maximumf %max3A_203, %floor3A : vector<1x576xf32>
    %min3A_205 = vector.broadcast %jit3A_202 : f32 to vector<1x576xf32>
    %min3A_206 = arith.minimumf %min3A_205, %max3A_204 : vector<1x576xf32>
    %sub3A_207 = vector.broadcast %min3A_29 : vector<1x1xf32> to vector<1x576xf32>
    %sub3A_208 = arith.subf %div3A_184, %sub3A_207 : vector<1x576xf32>
    %div3A_209 = vector.broadcast %sub3A_51 : vector<1x1xf32> to vector<1x576xf32>
    %div3A_210 = arith.divf %sub3A_208, %div3A_209 : vector<1x576xf32>
    %mul3A_211 = arith.constant 2.400000e+01 : f32
    %mul3A_212 = vector.broadcast %mul3A_211 : f32 to vector<1x576xf32>
    %mul3A_213 = arith.mulf %div3A_210, %mul3A_212 : vector<1x576xf32>
    %floor3A_214 = math.floor %mul3A_213 : vector<1x576xf32>
    %jit3A_215 = arith.constant 0.000000e+00 : f32
    %jit3A_216 = arith.constant 2.300000e+01 : f32
    %max3A_217 = vector.broadcast %jit3A_215 : f32 to vector<1x576xf32>
    %max3A_218 = arith.maximumf %max3A_217, %floor3A_214 : vector<1x576xf32>
    %min3A_219 = vector.broadcast %jit3A_216 : f32 to vector<1x576xf32>
    %min3A_220 = arith.minimumf %min3A_219, %max3A_218 : vector<1x576xf32>
    %select_n3A_221 = arith.select %and3A_188, %min3A_206, %convert_element_type3A_172 : vector<1x576xi1>, vector<1x576xf32>
    %select_n3A_222 = arith.select %and3A_193, %min3A_220, %convert_element_type3A : vector<1x576xi1>, vector<1x576xf32>
    %mul3A_223 = arith.constant 2.400000e+01 : f32
    %mul3A_224 = vector.broadcast %mul3A_223 : f32 to vector<1x576xf32>
    %mul3A_225 = arith.mulf %select_n3A_222, %mul3A_224 : vector<1x576xf32>
    %add3A_226 = arith.addf %mul3A_225, %select_n3A_221 : vector<1x576xf32>
    %get3A_227 = arith.constant 0 : index
    %get3A_228 = arith.constant 0 : index
    %get3A_229 = arith.constant 0 : index
    %get3A_230 = vector.load %arg1[%get3A_227, %get3A_228, %get3A_229] : memref<1x1x576xf32, #tpu.memory_space<vmem>>, vector<1x1x576xf32>
    %get3A_231 = vector.shape_cast %get3A_230 : vector<1x1x576xf32> to vector<1x576xf32>
    %transpose3A = tpu.transpose %get3A_231, [1, 0] : vector<1x576xf32> -> vector<576x1xf32>
    %iota3A_232 = tpu.iota {dimensions = array<i32: 0>} : vector<576x576xi32>
    %iota3A_233 = tpu.iota {dimensions = array<i32: 1>} : vector<576x576xi32>
    %lt3A_234 = arith.cmpi slt, %iota3A_232, %iota3A_233 : vector<576x576xi32>
    %lt3A_235 = vector.broadcast %transpose3A : vector<576x1xf32> to vector<576x576xf32>
    %lt3A_236 = vector.broadcast %get3A_231 : vector<1x576xf32> to vector<576x576xf32>
    %lt3A_237 = arith.cmpf olt, %lt3A_235, %lt3A_236 : vector<576x576xf32>
    %eq3A_238 = vector.broadcast %transpose3A : vector<576x1xf32> to vector<576x576xf32>
    %eq3A_239 = vector.broadcast %get3A_231 : vector<1x576xf32> to vector<576x576xf32>
    %eq3A_240 = arith.cmpf oeq, %eq3A_238, %eq3A_239 : vector<576x576xf32>
    %and3A_241 = arith.andi %eq3A_240, %lt3A_234 : vector<576x576xi1>
    %or3A = arith.ori %lt3A_237, %and3A_241 : vector<576x576xi1>
    %convert_element_type3A_242 = arith.extui %or3A : vector<576x576xi1> to vector<576x576xi32>
    %convert_element_type3A_243 = arith.sitofp %convert_element_type3A_242 : vector<576x576xi32> to vector<576x576xf32>
    %reduce_sum3A = arith.constant dense<0.000000e+00> : vector<576xf32>
    %reduce_sum3A_244 = vector.multi_reduction <add>, %convert_element_type3A_243, %reduce_sum3A [0] : vector<576x576xf32> to vector<576xf32>
    %broadcast_in_dim3A_245 = vector.shape_cast %reduce_sum3A_244 : vector<576xf32> to vector<1x576xf32>
    %convert_element_type3A_246 = arith.fptosi %broadcast_in_dim3A_245 : vector<1x576xf32> to vector<1x576xi32>
    %broadcast_in_dim3A_247 = vector.shape_cast %convert_element_type3A_246 : vector<1x576xi32> to vector<1x1x576xi32>
    %swap3A_248 = arith.constant 0 : index
    %swap3A_249 = arith.constant 0 : index
    %swap3A_250 = arith.constant 0 : index
    %swap3A_251 = vector.load %arg5[%swap3A_248, %swap3A_249, %swap3A_250] : memref<1x1x576xi32, #tpu.memory_space<vmem>>, vector<1x1x576xi32>
    tpu.vector_store %arg5[%swap3A_248, %swap3A_249, %swap3A_250], %broadcast_in_dim3A_247 {strides = array<i32>} : memref<1x1x576xi32, #tpu.memory_space<vmem>>, vector<1x1x576xi32>,
    %ge3A_252 = arith.constant 1.440000e+02 : f32
    %ge3A_253 = vector.broadcast %ge3A_252 : f32 to vector<1x576xf32>
    %ge3A_254 = arith.cmpf oge, %broadcast_in_dim3A_245, %ge3A_253 : vector<1x576xf32>
    %convert_element_type3A_255 = arith.extui %ge3A_254 : vector<1x576xi1> to vector<1x576xi32>
    %convert_element_type3A_256 = arith.sitofp %convert_element_type3A_255 : vector<1x576xi32> to vector<1x576xf32>
    %broadcast_in_dim3A_257 = vector.shape_cast %convert_element_type3A_256 : vector<1x576xf32> to vector<1x1x576xf32>
    %swap3A_258 = arith.constant 0 : index
    %swap3A_259 = arith.constant 0 : index
    %swap3A_260 = arith.constant 0 : index
    %swap3A_261 = vector.load %arg6[%swap3A_258, %swap3A_259, %swap3A_260] : memref<1x1x576xf32, #tpu.memory_space<vmem>>, vector<1x1x576xf32>
    tpu.vector_store %arg6[%swap3A_258, %swap3A_259, %swap3A_260], %broadcast_in_dim3A_257 {strides = array<i32>} : memref<1x1x576xf32, #tpu.memory_space<vmem>>, vector<1x1x576xf32>,
    %iota3A_262 = tpu.iota {dimensions = array<i32: 0>} : vector<144x576xi32>
    %convert_element_type3A_263 = arith.sitofp %iota3A_262 : vector<144x576xi32> to vector<144x576xf32>
    %eq3A_264 = vector.broadcast %broadcast_in_dim3A_245 : vector<1x576xf32> to vector<144x576xf32>
    %eq3A_265 = arith.cmpf oeq, %convert_element_type3A_263, %eq3A_264 : vector<144x576xf32>
    %convert_element_type3A_266 = arith.extui %eq3A_265 : vector<144x576xi1> to vector<144x576xi32>
    %convert_element_type3A_267 = arith.sitofp %convert_element_type3A_266 : vector<144x576xi32> to vector<144x576xf32>
    %iota3A_268 = tpu.iota {dimensions = array<i32: 1>} : vector<1x576xi32>
    %convert_element_type3A_269 = arith.sitofp %iota3A_268 : vector<1x576xi32> to vector<1x576xf32>
    %iota3A_270 = tpu.iota {dimensions = array<i32: 1>} : vector<1x576xi32>
    %jit3A_271 = arith.constant 24 : i32
    %div3A_272 = vector.broadcast %jit3A_271 : i32 to vector<1x576xi32>
    %div3A_273 = arith.divsi %iota3A_270, %div3A_272 : vector<1x576xi32>
    %sign3A_274 = arith.constant 0 : i32
    %sign3A_275 = vector.broadcast %sign3A_274 : i32 to vector<1x576xi32>
    %sign3A_276 = arith.cmpi sgt, %iota3A_270, %sign3A_275 : vector<1x576xi32>
    %sign3A_277 = arith.extui %sign3A_276 : vector<1x576xi1> to vector<1x576xi32>
    %sign3A_278 = arith.constant 0 : i32
    %sign3A_279 = vector.broadcast %sign3A_278 : i32 to vector<1x576xi32>
    %sign3A_280 = arith.cmpi slt, %iota3A_270, %sign3A_279 : vector<1x576xi32>
    %sign3A_281 = arith.extui %sign3A_280 : vector<1x576xi1> to vector<1x576xi32>
    %sign3A_282 = arith.subi %sign3A_277, %sign3A_281 : vector<1x576xi32>
    %sign3A_283 = arith.constant 0 : i32
    %sign3A_284 = arith.cmpi sgt, %jit3A_271, %sign3A_283 : i32
    %sign3A_285 = arith.extui %sign3A_284 : i1 to i32
    %sign3A_286 = arith.constant 0 : i32
    %sign3A_287 = arith.cmpi slt, %jit3A_271, %sign3A_286 : i32
    %sign3A_288 = arith.extui %sign3A_287 : i1 to i32
    %sign3A_289 = arith.subi %sign3A_285, %sign3A_288 : i32
    %ne3A_290 = vector.broadcast %sign3A_289 : i32 to vector<1x576xi32>
    %ne3A_291 = arith.cmpi ne, %sign3A_282, %ne3A_290 : vector<1x576xi32>
    %rem3A_292 = vector.broadcast %jit3A_271 : i32 to vector<1x576xi32>
    %rem3A_293 = arith.remsi %iota3A_270, %rem3A_292 : vector<1x576xi32>
    %ne3A_294 = arith.constant 0 : i32
    %ne3A_295 = vector.broadcast %ne3A_294 : i32 to vector<1x576xi32>
    %ne3A_296 = arith.cmpi ne, %rem3A_293, %ne3A_295 : vector<1x576xi32>
    %and3A_297 = arith.andi %ne3A_291, %ne3A_296 : vector<1x576xi1>
    %sub3A_298 = arith.constant 1 : i32
    %sub3A_299 = vector.broadcast %sub3A_298 : i32 to vector<1x576xi32>
    %sub3A_300 = arith.subi %div3A_273, %sub3A_299 : vector<1x576xi32>
    %select_n3A_301 = arith.select %and3A_297, %sub3A_300, %div3A_273 : vector<1x576xi1>, vector<1x576xi32>
    %convert_element_type3A_302 = arith.sitofp %select_n3A_301 : vector<1x576xi32> to vector<1x576xf32>
    %jit3A_303 = arith.constant 24 : i32
    %eq3A_304 = arith.constant 0 : i32
    %eq3A_305 = arith.cmpi eq, %jit3A_303, %eq3A_304 : i32
    %jit3A_306 = arith.constant 1 : i32
    %select_n3A_307 = arith.select %eq3A_305, %jit3A_306, %jit3A_303 : i32
    %rem3A_308 = vector.broadcast %select_n3A_307 : i32 to vector<1x576xi32>
    %rem3A_309 = arith.remsi %iota3A_270, %rem3A_308 : vector<1x576xi32>
    %ne3A_310 = arith.constant 0 : i32
    %ne3A_311 = vector.broadcast %ne3A_310 : i32 to vector<1x576xi32>
    %ne3A_312 = arith.cmpi ne, %rem3A_309, %ne3A_311 : vector<1x576xi32>
    %lt3A_313 = arith.constant 0 : i32
    %lt3A_314 = vector.broadcast %lt3A_313 : i32 to vector<1x576xi32>
    %lt3A_315 = arith.cmpi slt, %rem3A_309, %lt3A_314 : vector<1x576xi32>
    %lt3A_316 = arith.constant 0 : i32
    %lt3A_317 = arith.cmpi slt, %select_n3A_307, %lt3A_316 : i32
    %ne3A_318 = vector.broadcast %lt3A_317 : i1 to vector<1x576xi1>
    %ne3A_319 = vector.broadcast %ne3A_318 : vector<1x576xi1> to vector<1x576xi1>
    %ne3A_320 = arith.xori %lt3A_315, %ne3A_319 : vector<1x576xi1>
    %and3A_321 = arith.andi %ne3A_320, %ne3A_312 : vector<1x576xi1>
    %add3A_322 = vector.broadcast %select_n3A_307 : i32 to vector<1x576xi32>
    %add3A_323 = arith.addi %rem3A_309, %add3A_322 : vector<1x576xi32>
    %select_n3A_324 = arith.select %and3A_321, %add3A_323, %rem3A_309 : vector<1x576xi1>, vector<1x576xi32>
    %convert_element_type3A_325 = arith.sitofp %select_n3A_324 : vector<1x576xi32> to vector<1x576xf32>
    %mul3A_326 = vector.broadcast %convert_element_type3A_269 : vector<1x576xf32> to vector<144x576xf32>
    %mul3A_327 = arith.mulf %convert_element_type3A_267, %mul3A_326 : vector<144x576xf32>
    %reduce_sum3A_328 = arith.constant dense<0.000000e+00> : vector<144xf32>
    %reduce_sum3A_329 = vector.multi_reduction <add>, %mul3A_327, %reduce_sum3A_328 [1] : vector<144x576xf32> to vector<144xf32>
    %broadcast_in_dim3A_330 = vector.shape_cast %reduce_sum3A_329 : vector<144xf32> to vector<144x1xf32>
    %mul3A_331 = vector.broadcast %add3A_226 : vector<1x576xf32> to vector<144x576xf32>
    %mul3A_332 = arith.mulf %convert_element_type3A_267, %mul3A_331 : vector<144x576xf32>
    %reduce_sum3A_333 = arith.constant dense<0.000000e+00> : vector<144xf32>
    %reduce_sum3A_334 = vector.multi_reduction <add>, %mul3A_332, %reduce_sum3A_333 [1] : vector<144x576xf32> to vector<144xf32>
    %broadcast_in_dim3A_335 = vector.shape_cast %reduce_sum3A_334 : vector<144xf32> to vector<144x1xf32>
    %mul3A_336 = vector.broadcast %convert_element_type3A_302 : vector<1x576xf32> to vector<144x576xf32>
    %mul3A_337 = arith.mulf %convert_element_type3A_267, %mul3A_336 : vector<144x576xf32>
    %reduce_sum3A_338 = arith.constant dense<0.000000e+00> : vector<144xf32>
    %reduce_sum3A_339 = vector.multi_reduction <add>, %mul3A_337, %reduce_sum3A_338 [1] : vector<144x576xf32> to vector<144xf32>
    %broadcast_in_dim3A_340 = vector.shape_cast %reduce_sum3A_339 : vector<144xf32> to vector<144x1xf32>
    %mul3A_341 = vector.broadcast %convert_element_type3A_325 : vector<1x576xf32> to vector<144x576xf32>
    %mul3A_342 = arith.mulf %convert_element_type3A_267, %mul3A_341 : vector<144x576xf32>
    %reduce_sum3A_343 = arith.constant dense<0.000000e+00> : vector<144xf32>
    %reduce_sum3A_344 = vector.multi_reduction <add>, %mul3A_342, %reduce_sum3A_343 [1] : vector<144x576xf32> to vector<144xf32>
    %broadcast_in_dim3A_345 = vector.shape_cast %reduce_sum3A_344 : vector<144xf32> to vector<144x1xf32>
    %convert_element_type3A_346 = arith.fptosi %broadcast_in_dim3A_330 : vector<144x1xf32> to vector<144x1xi32>
    %broadcast_in_dim3A_347 = vector.shape_cast %convert_element_type3A_346 : vector<144x1xi32> to vector<1x144x1xi32>
    %swap3A_348 = arith.constant 0 : index
    %swap3A_349 = arith.constant 0 : index
    %swap3A_350 = arith.constant 0 : index
    %swap3A_351 = vector.load %arg7[%swap3A_348, %swap3A_349, %swap3A_350] : memref<1x144x1xi32, #tpu.memory_space<vmem>>, vector<1x144x1xi32>
    tpu.vector_store %arg7[%swap3A_348, %swap3A_349, %swap3A_350], %broadcast_in_dim3A_347 {strides = array<i32>} : memref<1x144x1xi32, #tpu.memory_space<vmem>>, vector<1x144x1xi32>,
    %convert_element_type3A_352 = arith.fptosi %broadcast_in_dim3A_335 : vector<144x1xf32> to vector<144x1xi32>
    %broadcast_in_dim3A_353 = vector.shape_cast %convert_element_type3A_352 : vector<144x1xi32> to vector<1x144x1xi32>
    %swap3A_354 = arith.constant 0 : index
    %swap3A_355 = arith.constant 0 : index
    %swap3A_356 = arith.constant 0 : index
    %swap3A_357 = vector.load %arg8[%swap3A_354, %swap3A_355, %swap3A_356] : memref<1x144x1xi32, #tpu.memory_space<vmem>>, vector<1x144x1xi32>
    tpu.vector_store %arg8[%swap3A_354, %swap3A_355, %swap3A_356], %broadcast_in_dim3A_353 {strides = array<i32>} : memref<1x144x1xi32, #tpu.memory_space<vmem>>, vector<1x144x1xi32>,
    %iota3A_358 = tpu.iota {dimensions = array<i32: 1>} : vector<1x48xi32>
    %jit3A_359 = arith.constant 16 : i32
    %div3A_360 = vector.broadcast %jit3A_359 : i32 to vector<1x48xi32>
    %div3A_361 = arith.divsi %iota3A_358, %div3A_360 : vector<1x48xi32>
    %sign3A_362 = arith.constant 0 : i32
    %sign3A_363 = vector.broadcast %sign3A_362 : i32 to vector<1x48xi32>
    %sign3A_364 = arith.cmpi sgt, %iota3A_358, %sign3A_363 : vector<1x48xi32>
    %sign3A_365 = arith.extui %sign3A_364 : vector<1x48xi1> to vector<1x48xi32>
    %sign3A_366 = arith.constant 0 : i32
    %sign3A_367 = vector.broadcast %sign3A_366 : i32 to vector<1x48xi32>
    %sign3A_368 = arith.cmpi slt, %iota3A_358, %sign3A_367 : vector<1x48xi32>
    %sign3A_369 = arith.extui %sign3A_368 : vector<1x48xi1> to vector<1x48xi32>
    %sign3A_370 = arith.subi %sign3A_365, %sign3A_369 : vector<1x48xi32>
    %sign3A_371 = arith.constant 0 : i32
    %sign3A_372 = arith.cmpi sgt, %jit3A_359, %sign3A_371 : i32
    %sign3A_373 = arith.extui %sign3A_372 : i1 to i32
    %sign3A_374 = arith.constant 0 : i32
    %sign3A_375 = arith.cmpi slt, %jit3A_359, %sign3A_374 : i32
    %sign3A_376 = arith.extui %sign3A_375 : i1 to i32
    %sign3A_377 = arith.subi %sign3A_373, %sign3A_376 : i32
    %ne3A_378 = vector.broadcast %sign3A_377 : i32 to vector<1x48xi32>
    %ne3A_379 = arith.cmpi ne, %sign3A_370, %ne3A_378 : vector<1x48xi32>
    %rem3A_380 = vector.broadcast %jit3A_359 : i32 to vector<1x48xi32>
    %rem3A_381 = arith.remsi %iota3A_358, %rem3A_380 : vector<1x48xi32>
    %ne3A_382 = arith.constant 0 : i32
    %ne3A_383 = vector.broadcast %ne3A_382 : i32 to vector<1x48xi32>
    %ne3A_384 = arith.cmpi ne, %rem3A_381, %ne3A_383 : vector<1x48xi32>
    %and3A_385 = arith.andi %ne3A_379, %ne3A_384 : vector<1x48xi1>
    %sub3A_386 = arith.constant 1 : i32
    %sub3A_387 = vector.broadcast %sub3A_386 : i32 to vector<1x48xi32>
    %sub3A_388 = arith.subi %div3A_361, %sub3A_387 : vector<1x48xi32>
    %select_n3A_389 = arith.select %and3A_385, %sub3A_388, %div3A_361 : vector<1x48xi1>, vector<1x48xi32>
    %mul3A_390 = arith.constant 9216 : i32
    %mul3A_391 = vector.broadcast %mul3A_390 : i32 to vector<1x48xi32>
    %mul3A_392 = arith.muli %select_n3A_389, %mul3A_391 : vector<1x48xi32>
    %jit3A_393 = arith.constant 16 : i32
    %eq3A_394 = arith.constant 0 : i32
    %eq3A_395 = arith.cmpi eq, %jit3A_393, %eq3A_394 : i32
    %jit3A_396 = arith.constant 1 : i32
    %select_n3A_397 = arith.select %eq3A_395, %jit3A_396, %jit3A_393 : i32
    %rem3A_398 = vector.broadcast %select_n3A_397 : i32 to vector<1x48xi32>
    %rem3A_399 = arith.remsi %iota3A_358, %rem3A_398 : vector<1x48xi32>
    %ne3A_400 = arith.constant 0 : i32
    %ne3A_401 = vector.broadcast %ne3A_400 : i32 to vector<1x48xi32>
    %ne3A_402 = arith.cmpi ne, %rem3A_399, %ne3A_401 : vector<1x48xi32>
    %lt3A_403 = arith.constant 0 : i32
    %lt3A_404 = vector.broadcast %lt3A_403 : i32 to vector<1x48xi32>
    %lt3A_405 = arith.cmpi slt, %rem3A_399, %lt3A_404 : vector<1x48xi32>
    %lt3A_406 = arith.constant 0 : i32
    %lt3A_407 = arith.cmpi slt, %select_n3A_397, %lt3A_406 : i32
    %ne3A_408 = vector.broadcast %lt3A_407 : i1 to vector<1x48xi1>
    %ne3A_409 = vector.broadcast %ne3A_408 : vector<1x48xi1> to vector<1x48xi1>
    %ne3A_410 = arith.xori %lt3A_405, %ne3A_409 : vector<1x48xi1>
    %and3A_411 = arith.andi %ne3A_410, %ne3A_402 : vector<1x48xi1>
    %add3A_412 = vector.broadcast %select_n3A_397 : i32 to vector<1x48xi32>
    %add3A_413 = arith.addi %rem3A_399, %add3A_412 : vector<1x48xi32>
    %select_n3A_414 = arith.select %and3A_411, %add3A_413, %rem3A_399 : vector<1x48xi1>, vector<1x48xi32>
    %mul3A_415 = arith.constant 24 : i32
    %mul3A_416 = vector.broadcast %mul3A_415 : i32 to vector<1x48xi32>
    %mul3A_417 = arith.muli %select_n3A_414, %mul3A_416 : vector<1x48xi32>
    %add3A_418 = arith.addi %mul3A_392, %mul3A_417 : vector<1x48xi32>
    %convert_element_type3A_419 = arith.sitofp %add3A_418 : vector<1x48xi32> to vector<1x48xf32>
    %mul3A_420 = arith.constant 3.840000e+02 : f32
    %mul3A_421 = vector.broadcast %mul3A_420 : f32 to vector<144x1xf32>
    %mul3A_422 = arith.mulf %broadcast_in_dim3A_340, %mul3A_421 : vector<144x1xf32>
    %add3A_423 = arith.addf %mul3A_422, %broadcast_in_dim3A_345 : vector<144x1xf32>
    %add3A_424 = vector.broadcast %add3A_423 : vector<144x1xf32> to vector<144x48xf32>
    %add3A_425 = vector.broadcast %convert_element_type3A_419 : vector<1x48xf32> to vector<144x48xf32>
    %add3A_426 = arith.addf %add3A_424, %add3A_425 : vector<144x48xf32>
    %convert_element_type3A_427 = arith.fptosi %add3A_426 : vector<144x48xf32> to vector<144x48xi32>
    %mul3A_428 = arith.constant 27648 : i32
    %mul3A_429 = arith.muli %arg0, %mul3A_428 : i32
    %add3A_430 = vector.broadcast %mul3A_429 : i32 to vector<144x48xi32>
    %add3A_431 = arith.addi %convert_element_type3A_427, %add3A_430 : vector<144x48xi32>
    %broadcast_in_dim3A_432 = vector.shape_cast %add3A_431 : vector<144x48xi32> to vector<1x144x48xi32>
    %swap3A_433 = arith.constant 0 : index
    %swap3A_434 = arith.constant 0 : index
    %swap3A_435 = arith.constant 0 : index
    %swap3A_436 = vector.load %arg9[%swap3A_433, %swap3A_434, %swap3A_435] : memref<1x144x48xi32, #tpu.memory_space<vmem>>, vector<1x144x48xi32>
    tpu.vector_store %arg9[%swap3A_433, %swap3A_434, %swap3A_435], %broadcast_in_dim3A_432 {strides = array<i32>} : memref<1x144x48xi32, #tpu.memory_space<vmem>>, vector<1x144x48xi32>,
    return
  }
  func.func @transform_0(%arg0: i32) -> (i32, i32, i32) {
    %c0_i32 = arith.constant 0 : i32
    %c0_i32_0 = arith.constant 0 : i32
    %c0_i32_1 = arith.constant 0 : i32
    return %arg0, %c0_i32, %c0_i32_0 : i32, i32, i32
  }
  func.func @transform_1(%arg0: i32) -> (i32, i32, i32) {
    %c0_i32 = arith.constant 0 : i32
    %c0_i32_0 = arith.constant 0 : i32
    %c0_i32_1 = arith.constant 0 : i32
    return %arg0, %c0_i32, %c0_i32_0 : i32, i32, i32
  }
  func.func @transform_2(%arg0: i32) -> (i32, i32, i32) {
    %c0_i32 = arith.constant 0 : i32
    %c0_i32_0 = arith.constant 0 : i32
    %c0_i32_1 = arith.constant 0 : i32
    return %arg0, %c0_i32, %c0_i32_0 : i32, i32, i32
  }
  func.func @transform_3(%arg0: i32) -> (i32, i32, i32, i32) {
    %c0_i32 = arith.constant 0 : i32
    %c0_i32_0 = arith.constant 0 : i32
    %c0_i32_1 = arith.constant 0 : i32
    %c0_i32_2 = arith.constant 0 : i32
    return %arg0, %c0_i32, %c0_i32_0, %c0_i32_1 : i32, i32, i32, i32
  }
  func.func @transform_4(%arg0: i32) -> (i32, i32, i32) {
    %c0_i32 = arith.constant 0 : i32
    %c0_i32_0 = arith.constant 0 : i32
    %c0_i32_1 = arith.constant 0 : i32
    return %arg0, %c0_i32, %c0_i32_0 : i32, i32, i32
  }
  func.func @transform_5(%arg0: i32) -> (i32, i32, i32) {
    %c0_i32 = arith.constant 0 : i32
    %c0_i32_0 = arith.constant 0 : i32
    %c0_i32_1 = arith.constant 0 : i32
    return %arg0, %c0_i32, %c0_i32_0 : i32, i32, i32
  }
  func.func @transform_6(%arg0: i32) -> (i32, i32, i32) {
    %c0_i32 = arith.constant 0 : i32
    %c0_i32_0 = arith.constant 0 : i32
    %c0_i32_1 = arith.constant 0 : i32
    return %arg0, %c0_i32, %c0_i32_0 : i32, i32, i32
  }
  func.func @transform_7(%arg0: i32) -> (i32, i32, i32) {
    %c0_i32 = arith.constant 0 : i32
    %c0_i32_0 = arith.constant 0 : i32
    %c0_i32_1 = arith.constant 0 : i32
    return %arg0, %c0_i32, %c0_i32_0 : i32, i32, i32
  }
  func.func @transform_8(%arg0: i32) -> (i32, i32, i32) {
    %c0_i32 = arith.constant 0 : i32
    %c0_i32_0 = arith.constant 0 : i32
    %c0_i32_1 = arith.constant 0 : i32
    return %arg0, %c0_i32, %c0_i32_0 : i32, i32, i32
  }
  func.func @transform_9(%arg0: i32) -> (i32, i32, i32) {
    %c0_i32 = arith.constant 0 : i32
    %c0_i32_0 = arith.constant 0 : i32
    %c0_i32_1 = arith.constant 0 : i32
    return %arg0, %c0_i32, %c0_i32_0 : i32, i32, i32
  }
  func.func @transform_10(%arg0: i32) -> (i32, i32) {
    %c0_i32 = arith.constant 0 : i32
    %c0_i32_0 = arith.constant 0 : i32
    return %arg0, %c0_i32 : i32, i32
  }
}

module attributes {stable_mosaic.version = 14 : i64} {
  func.func @_mm_body(%arg0: i32, %arg1: memref<9216x128xf32, #tpu.memory_space<vmem>>, %arg2: memref<6x128x768xbf16, #tpu.memory_space<vmem>>, %arg3: memref<1x768xf32, #tpu.memory_space<vmem>>, %arg4: memref<1536x768xf32, #tpu.memory_space<vmem>>) attributes {dimension_semantics = [#tpu.dimension_semantics<arbitrary>], iteration_bounds = array<i64: 3>, scalar_prefetch = 0 : i64, scratch_operands = 0 : i64, tpu.core_type = #tpu.core_type<tc>, window_params = [{transform_indices = @transform_0, window_bounds = array<i64: 9216, 128>}, {pipeline_mode = #tpu.pipeline_mode<synchronous>, transform_indices = @transform_1, window_bounds = array<i64: 6, 128, 768>}, {pipeline_mode = #tpu.pipeline_mode<synchronous>, transform_indices = @transform_2, window_bounds = array<i64: 1, 768>}, {transform_indices = @transform_3, window_bounds = array<i64: 1536, 768>}]} {
    %get3A = arith.constant 0 : index
    %get3A_0 = arith.constant 0 : index
    %get3A_1 = vector.load %arg1[%get3A, %get3A_0] : memref<9216x128xf32, #tpu.memory_space<vmem>>, vector<9216x128xf32>
    %convert_element_type3A = arith.truncf %get3A_1 : vector<9216x128xf32> to vector<9216x128xbf16>
    %reshape3A = vector.shape_cast %convert_element_type3A : vector<9216x128xbf16> to vector<1536x768xbf16>
    %get3A_2 = arith.constant 0 : index
    %get3A_3 = arith.constant 0 : index
    %get3A_4 = arith.constant 0 : index
    %get3A_5 = vector.load %arg2[%get3A_2, %get3A_3, %get3A_4] : memref<6x128x768xbf16, #tpu.memory_space<vmem>>, vector<6x128x768xbf16>
    %reshape3A_6 = vector.shape_cast %get3A_5 : vector<6x128x768xbf16> to vector<768x768xbf16>
    %dot_general3A = arith.constant dense<0.000000e+00> : vector<1536x768xf32>
    %dot_general3A_7 = tpu.matmul %reshape3A, %reshape3A_6, %dot_general3A {dimension_numbers = #tpu.dot_dimension_numbers<[1], [0], [0], [1], [0, 0, 1, 1], [], []>, transpose_lhs_hint = false} : vector<1536x768xbf16>, vector<768x768xbf16>, vector<1536x768xf32> -> vector<1536x768xf32>
    %get3A_8 = arith.constant 0 : index
    %get3A_9 = arith.constant 0 : index
    %get3A_10 = vector.load %arg3[%get3A_8, %get3A_9] : memref<1x768xf32, #tpu.memory_space<vmem>>, vector<1x768xf32>
    %add3A = vector.broadcast %get3A_10 : vector<1x768xf32> to vector<1536x768xf32>
    %add3A_11 = arith.addf %dot_general3A_7, %add3A : vector<1536x768xf32>
    %swap3A = arith.constant 0 : index
    %swap3A_12 = arith.constant 0 : index
    %swap3A_13 = vector.load %arg4[%swap3A, %swap3A_12] : memref<1536x768xf32, #tpu.memory_space<vmem>>, vector<1536x768xf32>
    tpu.vector_store %arg4[%swap3A, %swap3A_12], %add3A_11 {strides = array<i32>} : memref<1536x768xf32, #tpu.memory_space<vmem>>, vector<1536x768xf32>,
    return
  }
  func.func @transform_0(%arg0: i32) -> (i32, i32) {
    %c0_i32 = arith.constant 0 : i32
    %c0_i32_0 = arith.constant 0 : i32
    return %arg0, %c0_i32 : i32, i32
  }
  func.func @transform_1(%arg0: i32) -> (i32, i32, i32) {
    %c0_i32 = arith.constant 0 : i32
    %c0_i32_0 = arith.constant 0 : i32
    %c0_i32_1 = arith.constant 0 : i32
    %c0_i32_2 = arith.constant 0 : i32
    return %c0_i32, %c0_i32_0, %c0_i32_1 : i32, i32, i32
  }
  func.func @transform_2(%arg0: i32) -> (i32, i32) {
    %c0_i32 = arith.constant 0 : i32
    %c0_i32_0 = arith.constant 0 : i32
    %c0_i32_1 = arith.constant 0 : i32
    return %c0_i32, %c0_i32_0 : i32, i32
  }
  func.func @transform_3(%arg0: i32) -> (i32, i32) {
    %c0_i32 = arith.constant 0 : i32
    %c0_i32_0 = arith.constant 0 : i32
    return %arg0, %c0_i32 : i32, i32
  }
}

</mosaic_0001>

<sc_bundles>
// kernel: kernel.6.cloned.1.call-start
scs
__scs_entry_jumppad:
0x0: {  	(pc) =	sbr.rel $0x88, $3  }
0x1: {  	(tag) =	ssettag $0x0;
	lr =	simm.s32 $0x1  }
0x2: {  	[smem:$0x3F99] =	sst lr;
	_ =	strace $0xD0000000  }
0x3: {  	_ = 	snop  }
0x4: {  	_ = 	snop  }
0x5: {  	_ = 	snop  }
0x6: {  	_ = 	snop  }
0x7: {  	_ = 	snop  }
__scs_overlays_trampoline_lowered:
0x8: {  	[smem:$0x3FA8] =	sst s0  }
0x9: {  	[smem:$0x3FA9] =	sst s1  }
0xa: {  	[smem:$0x3FAA] =	sst s2  }
0xb: {  	[smem:$0x3FAB] =	sst s3  }
0xc: {  	[smem:$0x3FAC] =	sst s4  }
0xd: {  	[smem:$0x3FAD] =	sst s5  }
0xe: {  	[smem:$0x3FAE] =	sst s6  }
0xf: {  	[smem:$0x3FAF] =	sst s7  }
0x10: {  	[smem:$0x3FB0] =	sst s8  }
0x11: {  	[smem:$0x3FB1] =	sst s9;
	s0 =	simm.s32 @!p0 $0x0  }
0x12: {  	s1 =	sld [smem:$0x3F97];
	s0 =	simm.s32 @p0 $0x1  }
0x13: {  	[smem:$0x3FB2] =	sst s0;
	s0 =	simm.s32 @!p1 $0x0  }
0x14: {  	s2 =	sld [smem:$0x3F96];
	s0 =	simm.s32 @p1 $0x1  }
0x15: {  	[smem:$0x3FB3] =	sst s0;
	s0 =	simm.s32 @!p2 $0x0  }
0x16: {  	s3 =	sld [smem:$0x3FDB];
	s0 =	simm.s32 @p2 $0x1  }
0x17: {  	s4 =	simm.s32 $0x1BF5;
	[smem:$0x3FB5] =	sst s0  }
0x18: {  	s0 =	sld [smem:$0x3F98];
	_ =	swait.ge [sflag:s4], $0x0  }
0x19: {  	s7 =	sld [smem:$0x3F99]  }
0x1a: {  	s8 =	sadd.s32 $0xFFFFE003, lr  }
0x1b: {  	s9 =	sadd.s32 $0xFFFFFEF7, lr;
	s5 =	simm.s32 $0xFFFFFFFF;
	p2 =	slt.u32 s8, $0xFFFFF086  }
0x1c: {  	p1 =	slt.u32 s9, $0xF7A;
	s5 =	simm.s32 @!p2 $0x0  }
0x1d: {  	s5 =	simm.s32 @p1 $0x1;
	p0 =	seq.s32 s7, s2  }
0x1e: {  	s7 =	smul.u32 @!p0 $0xF7A, s2;
	p2 =	seq.s32 @!p0 s5, $0x0  }
0x1f: {  	s9 =	smul.u32 $0xF7A, s1;
	s8 =	simm.s32 @!p0 $0x1BF5;
	p2 =	por !p2, p0  }
0x20: {  	[sflag:s8] =	ssyncset.s32 @!p0 $0xFFFFF086;
	s6 =	sadd.s32 @!p0 s3, s7;
	s7 =	simm.s32 @!p0 $0x108  }
0x21: {  	s3 =	sadd.s32 s3, s9;
	s6 =	sadd.s32 @!p0 $0x88, s6;
	s7 =	simm.s32 @p2 $0x1082  }
0x22: {  	[simem:s7], [sflag:s8] =	dma.local @!p0 [hbm:s6], $0xF7A  }
0x23: {  	s9 =	sor.u32 $0xD0000000, s2;
	s6 =	simm.s32 $0x108;
	_ =	swait.ge @!p0 [sflag:s8], $0x0  }
0x24: {  	s3 =	sadd.s32 $0x88, s3;
	s6 =	simm.s32 @!p1 $0x1082;
	[sflag:s4] =	ssyncset.s32 $0xFFFFF086  }
0x25: {  	[simem:s6], [sflag:s4] =	dma.local [hbm:s3], $0xF7A  }
0x26: {  	[smem:$0x3F99] =	sst s1;
	(tag) =	ssettag s2;
	_ =	strace s9  }
0x27: {  	s1 =	sld [smem:$0x3FA9]  }
0x28: {  	s2 =	sld [smem:$0x3FAA]  }
0x29: {  	s4 =	sld [smem:$0x3FAC]  }
0x2a: {  	p0 =	seq.s32 s5, $0x0;
	s5 =	sld [smem:$0x3FAD]  }
0x2b: {  	s6 =	sld [smem:$0x3FAE]  }
0x2c: {  	s7 =	sld [smem:$0x3FAF]  }
0x2d: {  	s3 =	simm.s32 $0x108;
	s8 =	sld [smem:$0x3FB0]  }
0x2e: {  	s3 =	simm.s32 @!p0 $0x1082;
	s9 =	sld [smem:$0x3FB1]  }
0x2f: {  	lr =	sadd.s32 s0, s3;
	s0 =	sld [smem:$0x3FA8]  }
0x30: {  	s3 =	sld [smem:$0x3FAB]  }
0x31: {  	[smem:$0x3FB4] =	sst s10  }
0x32: {  	s10 =	sld [smem:$0x3FB2];
	_ =	sdelay $0x3  }
0x33: {  	p0 =	seq.s32 s10, $0x1;
	s10 =	sld [smem:$0x3FB4];
	_ =	sdelay $0x3  }
0x34: {  	[smem:$0x3FB4] =	sst s10  }
0x35: {  	s10 =	sld [smem:$0x3FB3];
	_ =	sdelay $0x3  }
0x36: {  	p1 =	seq.s32 s10, $0x1;
	s10 =	sld [smem:$0x3FB4];
	_ =	sdelay $0x3  }
0x37: {  	[smem:$0x3FB4] =	sst s10  }
0x38: {  	s10 =	sld [smem:$0x3FB5]  }
0x39: {  	_ = 	snop;
	(pc) =	sbr.ind lr, $3  }
0x3a: {  	_ = 	snop  }
0x3b: {  	_ = 	snop  }
0x3c: {  	p2 =	seq.s32 s10, $0x1;
	s10 =	sld [smem:$0x3FB4]  }
0x3d: {  	_ =	shalt  }
0x3e: {  	_ =	shalt  }
0x3f: {  	_ =	shalt  }
0x40: {  	_ =	shalt  }
0x41: {  	_ =	shalt  }
0x42: {  	_ =	shalt  }
0x43: {  	_ =	shalt  }
0x44: {  	_ =	shalt  }
0x45: {  	_ =	shalt  }
0x46: {  	_ =	shalt  }
0x47: {  	_ =	shalt  }
0x48: {  	_ =	shalt  }
0x49: {  	_ =	shalt  }
0x4a: {  	_ =	shalt  }
0x4b: {  	_ =	shalt  }
0x4c: {  	_ =	shalt  }
0x4d: {  	_ =	shalt  }
0x4e: {  	_ =	shalt  }
0x4f: {  	_ =	shalt  }
0x50: {  	_ =	shalt  }
0x51: {  	_ =	shalt  }
0x52: {  	_ =	shalt  }
0x53: {  	_ =	shalt  }
0x54: {  	_ =	shalt  }
0x55: {  	_ =	shalt  }
0x56: {  	_ =	shalt  }
0x57: {  	_ =	shalt  }
0x58: {  	_ =	shalt  }
0x59: {  	_ =	shalt  }
0x5a: {  	_ =	shalt  }
0x5b: {  	_ =	shalt  }
0x5c: {  	_ =	shalt  }
0x5d: {  	_ =	shalt  }
0x5e: {  	_ =	shalt  }
0x5f: {  	_ =	shalt  }
0x60: {  	_ =	shalt  }
0x61: {  	_ =	shalt  }
0x62: {  	_ =	shalt  }
0x63: {  	_ =	shalt  }
0x64: {  	_ =	shalt  }
0x65: {  	_ =	shalt  }
0x66: {  	_ =	shalt  }
0x67: {  	_ =	shalt  }
0x68: {  	_ =	shalt  }
0x69: {  	_ =	shalt  }
0x6a: {  	_ =	shalt  }
0x6b: {  	_ =	shalt  }
0x6c: {  	_ =	shalt  }
0x6d: {  	_ =	shalt  }
0x6e: {  	_ =	shalt  }
0x6f: {  	_ =	shalt  }
0x70: {  	_ =	shalt  }
0x71: {  	_ =	shalt  }
0x72: {  	_ =	shalt  }
0x73: {  	_ =	shalt  }
0x74: {  	_ =	shalt  }
0x75: {  	_ =	shalt  }
0x76: {  	_ =	shalt  }
0x77: {  	_ =	shalt  }
0x78: {  	_ =	shalt  }
0x79: {  	_ =	shalt  }
0x7a: {  	_ =	shalt  }
0x7b: {  	_ =	shalt  }
0x7c: {  	_ =	shalt  }
0x7d: {  	_ =	shalt  }
0x7e: {  	_ =	shalt  }
0x7f: {  	_ =	shalt  }
0x80: {  	_ =	shalt  }
0x81: {  	_ =	shalt  }
0x82: {  	_ =	shalt  }
0x83: {  	_ =	shalt  }
0x84: {  	_ =	shalt  }
0x85: {  	_ =	shalt  }
0x86: {  	_ =	shalt  }
0x87: {  	_ =	shalt  }
.Lfunc_end0:
.L_simem_size_0:
called_computation_lowered:
.L_overlay_start_0:
0x88: {  	s2 =	sld [smem:$0x3FD9]  }
0x89: {  	s3 =	sld [smem:$0x3FFE];
	_ =	sdelay $0x1  }
0x8a: {  	s1 =	srdreg.scid  }
0x8b: {  	s0 =	sand.u32 $0x1, s1  }
0x8c: {  	s14 =	sshll.u32 s0, $0xA;
	s2 =	sadd.s32 s3, s2  }
0x8d: {  	s2 =	sadd.s32 s2, s14  }
0x8e: {  	[smem:$0x3FC0] =	sst s2  }
0x8f: {  	_ = 	snop  }
0x90: {  	s2 =	sld [smem:$0x3FD0];
	_ =	sdelay $0x2  }
0x91: {  	s15 =	simm.s32 $0xB;
	s4 =	simm.s32 $0x10  }
0x92: {  	[smem:s4], [sflag:s15] =	dma.local [hbm:s2], $0x1  }
0x93: {  	_ =	swait.eq [sflag:s15], $0x1  }
0x94: {  	[sflag:s15] =	ssyncset.done $0x0  }
0x95: {  	[sflag:s15] =	ssyncadd.s32 $0xFFFFFFFF  }
0x96: {  	s2 =	sadd.s32 $0x1, s2;
	s5 =	sld [smem:$0x10]  }
0x97: {  	[smem:s4], [sflag:s15] =	dma.local [hbm:s2], $0x1  }
0x98: {  	_ =	swait.eq [sflag:s15], $0x1  }
0x99: {  	[sflag:s15] =	ssyncset.done $0x0  }
0x9a: {  	[sflag:s15] =	ssyncadd.s32 $0xFFFFFFFF  }
0x9b: {  	s16 =	sld [smem:$0x10];
	(tm) =	ssettm $0x1  }
0x9c: {  	s17 =	sld [smem:$0x3FFB];
	_ =	sdelay $0x3  }
0x9d: {  	_ =	strace s17  }
0x9e: {  	s3 =	sld [smem:$0x3FFC];
	_ =	sdelay $0x3  }
0x9f: {  	_ =	strace s3  }
0xa0: {  	s3 =	sld [smem:$0x3FFD];
	_ =	sdelay $0x3  }
0xa1: {  	_ =	strace s3  }
0xa2: {  	_ =	strace $0x8FFFFFFF  }
0xa3: {  	s18 =	sld [smem:$0x3FDB];
	_ =	sdelay $0x1  }
0xa4: {  	s19 =	simm.s32 $_scs_section_size  }
0xa5: {  	s6 =	simm.s32 $_size__tile_overlayer_lowered;
	s7 =	simm.s32 $_tile_overlayer_lowered  }
0xa6: {  	s22 =	simm.s32 $0x1BFF;
	s21 =	sshll.u32 s7, $0x1;
	s3 =	sadd.s32 s19, s18  }
0xa7: {  	s8 =	simm.s32 $0x0;
	s20 =	sshll.u32 s6, $0x1;
	s6 =	sadd.s32 s21, s3  }
0xa8: {  	[timem:s8], [sflag:s22] =	dma.local [hbm:s6], s20  }
0xa9: {  	_ =	swait.ge [sflag:s22], s20  }
0xaa: {  	s4 =	ssub.s32 $0x0, s20;
	[sflag:s22] =	ssyncset.done $0x0  }
0xab: {  	[sflag:s22] =	ssyncadd.s32 s4;
	_ =	sdelay $0x1  }
0xac: {  	s23 =	simm.s32 $0x1B8B  }
0xad: {  	_ =	swait.ge [sflag:s23], $0x1  }
0xae: {  	[sflag:s23] =	ssyncset.done $0x0  }
0xaf: {  	s25 =	simm.s32 $0x1B8E;
	s24 =	sld [smem:$0x3FFE];
	[sflag:s23] =	ssyncadd.s32 $0xFFFFFFFF  }
0xb0: {  	s26 =	simm.s32 $execute0_lowered;
	[smem:$0x3FD2] =	sst s25  }
0xb1: {  	s6 =	sshll.u32 s26, $0x1;
	_ =	strace $0x80000046;
	[dreg:$0x1] =	wrdreg $0xFFFFFFFF  }
0xb2: {  	s28 =	simm.s32 $_size_execute0_lowered;
	s3 =	sadd.s32 s3, s6;
	[dreg:$0x0] =	wrdreg $0x0  }
0xb3: {  	s6 =	sshll.u32 s28, $0x1;
	[dreg:$0x2] =	wrdreg s3  }
0xb4: {  	[dreg:$0x3] =	wrdreg s6  }
0xb5: {  	[dreg:$0x4] =	wrdreg $0xC0  }
0xb6: {  	_ =	task [dreg:s8], $0x5FFFF  }
0xb7: {  	[dreg:$0x1] =	wrdreg $0xFFFFFFFF  }
0xb8: {  	[dreg:$0x0] =	wrdreg $0x60  }
0xb9: {  	[dreg:$0x2] =	wrdreg s24  }
0xba: {  	[dreg:$0x3] =	wrdreg s16  }
0xbb: {  	[dreg:$0x4] =	wrdreg s5  }
0xbc: {  	[dreg:$0x5] =	wrdreg $0x9  }
0xbd: {  	_ =	task.clear_ibuf [dreg:s8], $0x6FFFF;
	_ =	strace $0x90000046  }
0xbe: {  	s29 =	simm.s32 $0x9;
	_ =	strace $0x80000048  }
0xbf: {  	_ =	swait.ge [sflag:s29], $0x1  }
0xc0: {  	[sflag:s29] =	ssyncadd.s32 $0xFFFFFFFF  }
0xc1: {  	_ =	strace $0x90000048  }
0xc2: {  	_ =	sfence  }
0xc3: {  	s30 =	sld [smem:$0x0];
	_ =	sdelay $0x2  }
0xc4: {  	s31 =	sshll.u32 s1, $0xD;
	s1 =	sshrl.u32 s1, $0x2  }
0xc5: {  	s3 =	sand.u32 $0x4000, s31;
	s1 =	sadd.s32 s1, s30  }
0xc6: {  	s0 =	sor.u32 s3, s0;
	s1 =	sshll.u32 s1, $0x11  }
0xc7: {  	s0 =	sor.u32 s1, s0  }
0xc8: {  	s0 =	sadd.s32 $0x8F2B, s0  }
0xc9: {  	[sflag:s0] =	ssyncadd.remote.s32 $0x1  }
0xca: {  	_ =	sfence.sel $0xFFFF  }
0xcb: {  	[dreg:$0x0] =	wrdreg $0xFFFFFFFF;
	(pc) =	sbr.abs _section_cstart, $3  }
0xcc: {  	[dreg:$0x1] =	wrdreg $0xFFFFFFFF  }
0xcd: {  	_ =	task.clear_ibuf [dreg:s8], $0x2FFFF;
	_ =	strace $0x9FFFFFFF  }
0xce: {  	(tm) =	ssettm $0x7FFFFFFF  }
0xcf: {  	_ =	shalt  }
tec
execute0_lowered:
.L_overlay_start_1:
0x0: {  	(tag) =	ssettag $0x1  }
0x1: {  	s3 =	rddreg [dreg:$0x0]  }
0x2: {  	s4 =	rddreg [dreg:$0x1]  }
0x3: {  	s1 =	srdreg.scid;
	s0 =	stileid.u32  }
0x4: {  	s5 =	rddreg [dreg:$0x2];
	s6 =	sand.u32 $0x1, s1;
	s7 =	sshll.u32 s0, $0x1  }
0x5: {  	s2 =	simm.s32 $0x0;
	s10 =	simm.s32 $0x0;
	s7 =	sor.u32 s6, s7  }
0x6: {  	s1 =	rddreg [dreg:$0x3];
	s6 =	ssub.s32 $0x2, s6;
	s8 =	smul.u32 $0x360, s7  }
0x7: {  	[smem:$0x7FF] =	sst s2;
	s9 =	sshrl.u32 s6, $0x1;
	s7 =	smul.u32 $0x3600, s7  }
0x8: {  	s3 =	sadd.s32 $0xA00, s3;
	_ =	strace $0x80000047;
	s6 =	ssub.s32 s6, s9  }
0x9: {  	s9 =	simm.s32 $0x1B00;
	s4 =	sadd.s32 s4, s8;
	s5 =	sadd.s32 s5, s7  }
0xa: {  	s6 =	smax.u32 s6, $0x1;
	s7 =	simm.s32 $0x2;
	s8 =	simm.s32 $0x80  }
.LBB2_1:
0xb: {  	[tilespmem:s2], [sflag:$0x2] =	stream.linear.gather [hbm4b:s4+s2], $0x1B00, $0x38;
	[tilespmem:$0x1CB00] =	vst v63  }
0xc: {  	_ =	swait.ge [sflag:s7], $0x1B00  }
0xd: {  	[sflag:s7] =	ssyncset.done $0x0  }
0xe: {  	p0 =	por $0x1, $0x1;
	s11 =	simm.s32 $0x0;
	[sflag:s7] =	ssyncadd.s32 $0xFFFFE500  }
.LBB2_2:
0xf: {  	s12 =	smul.u32 $0x36000, s11  }
0x10: {  	s13 =	smul.u32 $0x3600, s11  }
0x11: {  	s11 =	smul.u32 $0xD80, s11;
	_ =	sdelay $0x1  }
0x12: {  	s12 =	sshra.s32 s12, $0x2;
	s14 =	sadd.s32 $0x80, s11  }
0x13: {  	s13 =	sshra.s32 s13, $0x2;
	s12 =	sadd.s32 $0x1B00, s12;
	s15 =	sshll.u32 s14, $0x4  }
0x14: {  	[tilespmem:s12], [sflag:$0x1] =	stream.indirect.gather [hbm4b:s3+s8], $0x10, s13, s8, $0xb8;
	[tilespmem:$0x1CB00] =	vst v63  }
0x15: {  	s16 =	sadd.s32 $0x100, s11;
	s13 =	sand.u32 $0x3FFFF800, s15  }
0x16: {  	s17 =	sshll.u32 s16, $0x4;
	s13 =	sadd.s32 $0x1B00, s13  }
0x17: {  	[tilespmem:s13], [sflag:$0x1] =	stream.indirect.gather [hbm4b:s3+s8], $0x10, s14, s8, $0xb8;
	[tilespmem:$0x1CB00] =	vst v63  }
0x18: {  	s18 =	sadd.s32 $0x180, s11;
	s13 =	sand.u32 $0x3FFFF800, s17  }
0x19: {  	s19 =	sshll.u32 s18, $0x4;
	s13 =	sadd.s32 $0x1B00, s13  }
0x1a: {  	[tilespmem:s13], [sflag:$0x1] =	stream.indirect.gather [hbm4b:s3+s8], $0x10, s16, s8, $0xb8;
	[tilespmem:$0x1CB00] =	vst v63  }
0x1b: {  	s20 =	sadd.s32 $0x200, s11;
	s13 =	sand.u32 $0x3FFFF800, s19  }
0x1c: {  	s21 =	sshll.u32 s20, $0x4;
	s13 =	sadd.s32 $0x1B00, s13  }
0x1d: {  	[tilespmem:s13], [sflag:$0x1] =	stream.indirect.gather [hbm4b:s3+s8], $0x10, s18, s8, $0xb8;
	[tilespmem:$0x1CB00] =	vst v63  }
0x1e: {  	s22 =	sadd.s32 $0x280, s11;
	s13 =	sand.u32 $0x3FFFF800, s21  }
0x1f: {  	s23 =	sshll.u32 s22, $0x4;
	s13 =	sadd.s32 $0x1B00, s13  }
0x20: {  	[tilespmem:s13], [sflag:$0x1] =	stream.indirect.gather [hbm4b:s3+s8], $0x10, s20, s8, $0xb8;
	[tilespmem:$0x1CB00] =	vst v63  }
0x21: {  	s24 =	sadd.s32 $0x300, s11;
	s13 =	sand.u32 $0x3FFFF800, s23  }
0x22: {  	s25 =	sshll.u32 s24, $0x4;
	s13 =	sadd.s32 $0x1B00, s13  }
0x23: {  	[tilespmem:s13], [sflag:$0x1] =	stream.indirect.gather [hbm4b:s3+s8], $0x10, s22, s8, $0xb8;
	[tilespmem:$0x1CB00] =	vst v63  }
0x24: {  	s26 =	sadd.s32 $0x380, s11;
	s13 =	sand.u32 $0x3FFFF800, s25  }
0x25: {  	s28 =	sshll.u32 s26, $0x4;
	s13 =	sadd.s32 $0x1B00, s13  }
0x26: {  	[tilespmem:s13], [sflag:$0x1] =	stream.indirect.gather [hbm4b:s3+s8], $0x10, s24, s8, $0xb8;
	[tilespmem:$0x1CB00] =	vst v63  }
0x27: {  	s29 =	sadd.s32 $0x400, s11;
	s13 =	sand.u32 $0x3FFFF800, s28  }
0x28: {  	s30 =	sshll.u32 s29, $0x4;
	s13 =	sadd.s32 $0x1B00, s13  }
0x29: {  	[tilespmem:s13], [sflag:$0x1] =	stream.indirect.gather [hbm4b:s3+s8], $0x10, s26, s8, $0xb8;
	[tilespmem:$0x1CB00] =	vst v63  }
0x2a: {  	s31 =	sadd.s32 $0x480, s11;
	s13 =	sand.u32 $0x3FFFF800, s30  }
0x2b: {  	s14 =	sshll.u32 s31, $0x4;
	s13 =	sadd.s32 $0x1B00, s13  }
0x2c: {  	[tilespmem:s13], [sflag:$0x1] =	stream.indirect.gather [hbm4b:s3+s8], $0x10, s29, s8, $0xb8;
	[tilespmem:$0x1CB00] =	vst v63  }
0x2d: {  	s15 =	sadd.s32 $0x500, s11;
	s13 =	sand.u32 $0x3FFFF800, s14  }
0x2e: {  	s16 =	sshll.u32 s15, $0x4;
	s13 =	sadd.s32 $0x1B00, s13  }
0x2f: {  	[tilespmem:s13], [sflag:$0x1] =	stream.indirect.gather [hbm4b:s3+s8], $0x10, s31, s8, $0xb8;
	[tilespmem:$0x1CB00] =	vst v63  }
0x30: {  	s17 =	sadd.s32 $0x580, s11;
	s13 =	sand.u32 $0x3FFFF800, s16  }
0x31: {  	s18 =	sshll.u32 s17, $0x4;
	s13 =	sadd.s32 $0x1B00, s13  }
0x32: {  	[tilespmem:s13], [sflag:$0x1] =	stream.indirect.gather [hbm4b:s3+s8], $0x10, s15, s8, $0xb8;
	[tilespmem:$0x1CB00] =	vst v63  }
0x33: {  	s19 =	sadd.s32 $0x600, s11;
	s13 =	sand.u32 $0x3FFFF800, s18  }
0x34: {  	s20 =	sshll.u32 s19, $0x4;
	s13 =	sadd.s32 $0x1B00, s13  }
0x35: {  	[tilespmem:s13], [sflag:$0x1] =	stream.indirect.gather [hbm4b:s3+s8], $0x10, s17, s8, $0xb8;
	[tilespmem:$0x1CB00] =	vst v63  }
0x36: {  	s21 =	sadd.s32 $0x680, s11;
	s13 =	sand.u32 $0x3FFFF800, s20  }
0x37: {  	s22 =	sshll.u32 s21, $0x4;
	s13 =	sadd.s32 $0x1B00, s13  }
0x38: {  	[tilespmem:s13], [sflag:$0x1] =	stream.indirect.gather [hbm4b:s3+s8], $0x10, s19, s8, $0xb8;
	[tilespmem:$0x1CB00] =	vst v63  }
0x39: {  	s23 =	sadd.s32 $0x700, s11;
	s13 =	sand.u32 $0x3FFFF800, s22  }
0x3a: {  	s24 =	sshll.u32 s23, $0x4;
	s13 =	sadd.s32 $0x1B00, s13  }
0x3b: {  	[tilespmem:s13], [sflag:$0x1] =	stream.indirect.gather [hbm4b:s3+s8], $0x10, s21, s8, $0xb8;
	[tilespmem:$0x1CB00] =	vst v63  }
0x3c: {  	s25 =	sadd.s32 $0x780, s11;
	s13 =	sand.u32 $0x3FFFF800, s24  }
0x3d: {  	s26 =	sshll.u32 s25, $0x4;
	s13 =	sadd.s32 $0x1B00, s13  }
0x3e: {  	[tilespmem:s13], [sflag:$0x1] =	stream.indirect.gather [hbm4b:s3+s8], $0x10, s23, s8, $0xb8;
	[tilespmem:$0x1CB00] =	vst v63  }
0x3f: {  	s28 =	sadd.s32 $0x800, s11;
	s13 =	sand.u32 $0x3FFFF800, s26  }
0x40: {  	s29 =	sshll.u32 s28, $0x4;
	s13 =	sadd.s32 $0x1B00, s13  }
0x41: {  	[tilespmem:s13], [sflag:$0x1] =	stream.indirect.gather [hbm4b:s3+s8], $0x10, s25, s8, $0xb8;
	[tilespmem:$0x1CB00] =	vst v63  }
0x42: {  	s30 =	sadd.s32 $0x880, s11;
	s13 =	sand.u32 $0x3FFFF800, s29  }
0x43: {  	s31 =	sshll.u32 s30, $0x4;
	s13 =	sadd.s32 $0x1B00, s13  }
0x44: {  	[tilespmem:s13], [sflag:$0x1] =	stream.indirect.gather [hbm4b:s3+s8], $0x10, s28, s8, $0xb8;
	[tilespmem:$0x1CB00] =	vst v63  }
0x45: {  	s14 =	sadd.s32 $0x900, s11;
	s13 =	sand.u32 $0x3FFFF800, s31  }
0x46: {  	s15 =	sshll.u32 s14, $0x4;
	s13 =	sadd.s32 $0x1B00, s13  }
0x47: {  	[tilespmem:s13], [sflag:$0x1] =	stream.indirect.gather [hbm4b:s3+s8], $0x10, s30, s8, $0xb8;
	[tilespmem:$0x1CB00] =	vst v63  }
0x48: {  	s16 =	sadd.s32 $0x980, s11;
	s13 =	sand.u32 $0x3FFFF800, s15  }
0x49: {  	s17 =	sshll.u32 s16, $0x4;
	s13 =	sadd.s32 $0x1B00, s13  }
0x4a: {  	[tilespmem:s13], [sflag:$0x1] =	stream.indirect.gather [hbm4b:s3+s8], $0x10, s14, s8, $0xb8;
	[tilespmem:$0x1CB00] =	vst v63  }
0x4b: {  	s18 =	sadd.s32 $0xA00, s11;
	s13 =	sand.u32 $0x3FFFF800, s17  }
0x4c: {  	s19 =	sshll.u32 s18, $0x4;
	s13 =	sadd.s32 $0x1B00, s13  }
0x4d: {  	[tilespmem:s13], [sflag:$0x1] =	stream.indirect.gather [hbm4b:s3+s8], $0x10, s16, s8, $0xb8;
	[tilespmem:$0x1CB00] =	vst v63  }
0x4e: {  	s20 =	sadd.s32 $0xA80, s11;
	s13 =	sand.u32 $0x3FFFF800, s19  }
0x4f: {  	s21 =	sshll.u32 s20, $0x4;
	s13 =	sadd.s32 $0x1B00, s13  }
0x50: {  	[tilespmem:s13], [sflag:$0x1] =	stream.indirect.gather [hbm4b:s3+s8], $0x10, s18, s8, $0xb8;
	[tilespmem:$0x1CB00] =	vst v63  }
0x51: {  	s22 =	sadd.s32 $0xB00, s11;
	s13 =	sand.u32 $0x3FFFF800, s21  }
0x52: {  	s23 =	sshll.u32 s22, $0x4;
	s13 =	sadd.s32 $0x1B00, s13  }
0x53: {  	[tilespmem:s13], [sflag:$0x1] =	stream.indirect.gather [hbm4b:s3+s8], $0x10, s20, s8, $0xb8;
	[tilespmem:$0x1CB00] =	vst v63  }
0x54: {  	s24 =	sadd.s32 $0xB80, s11;
	s13 =	sand.u32 $0x3FFFF800, s23  }
0x55: {  	s25 =	sshll.u32 s24, $0x4;
	s13 =	sadd.s32 $0x1B00, s13  }
0x56: {  	[tilespmem:s13], [sflag:$0x1] =	stream.indirect.gather [hbm4b:s3+s8], $0x10, s22, s8, $0xb8;
	[tilespmem:$0x1CB00] =	vst v63  }
0x57: {  	s26 =	sadd.s32 $0xC00, s11;
	s13 =	sand.u32 $0x3FFFF800, s25  }
0x58: {  	s28 =	sshll.u32 s26, $0x4;
	s13 =	sadd.s32 $0x1B00, s13  }
0x59: {  	[tilespmem:s13], [sflag:$0x1] =	stream.indirect.gather [hbm4b:s3+s8], $0x10, s24, s8, $0xb8;
	[tilespmem:$0x1CB00] =	vst v63  }
0x5a: {  	s29 =	sadd.s32 $0xC80, s11;
	s13 =	sand.u32 $0x3FFFF800, s28  }
0x5b: {  	s11 =	sadd.s32 $0xD00, s11;
	s30 =	sshll.u32 s29, $0x4;
	s13 =	sadd.s32 $0x1B00, s13  }
0x5c: {  	[tilespmem:s13], [sflag:$0x1] =	stream.indirect.gather [hbm4b:s3+s8], $0x10, s26, s8, $0xb8;
	[tilespmem:$0x1CB00] =	vst v63  }
0x5d: {  	s31 =	sshll.u32 s11, $0x4;
	s13 =	sand.u32 $0x3FFFF800, s30  }
0x5e: {  	s12 =	sand.u32 $0x3FFFF800, s31;
	s13 =	sadd.s32 $0x1B00, s13  }
0x5f: {  	[tilespmem:s13], [sflag:$0x1] =	stream.indirect.gather [hbm4b:s3+s8], $0x10, s29, s8, $0xb8;
	[tilespmem:$0x1CB00] =	vst v63  }
0x60: {  	s12 =	sadd.s32 $0x1B00, s12  }
0x61: {  	[tilespmem:s12], [sflag:$0x1] =	stream.indirect.gather [hbm4b:s3+s8], $0x10, s11, s8, $0xb8;
	[tilespmem:$0x1CB00] =	vst v63  }
0x62: {  	s11 =	simm.s32 $0x1  }
0x63: {  	_ =	swait.ge [sflag:s11], $0x800  }
0x64: {  	[sflag:s11] =	ssyncset.done $0x0  }
0x65: {  	[sflag:s11] =	ssyncadd.s32 $0xFFFFF800  }
0x66: {  	_ =	swait.ge [sflag:s11], $0x800  }
0x67: {  	[sflag:s11] =	ssyncset.done $0x0  }
0x68: {  	[sflag:s11] =	ssyncadd.s32 $0xFFFFF800  }
0x69: {  	_ =	swait.ge [sflag:s11], $0x800  }
0x6a: {  	[sflag:s11] =	ssyncset.done $0x0  }
0x6b: {  	[sflag:s11] =	ssyncadd.s32 $0xFFFFF800  }
0x6c: {  	_ =	swait.ge [sflag:s11], $0x800  }
0x6d: {  	[sflag:s11] =	ssyncset.done $0x0  }
0x6e: {  	[sflag:s11] =	ssyncadd.s32 $0xFFFFF800  }
0x6f: {  	_ =	swait.ge [sflag:s11], $0x800  }
0x70: {  	[sflag:s11] =	ssyncset.done $0x0  }
0x71: {  	[sflag:s11] =	ssyncadd.s32 $0xFFFFF800  }
0x72: {  	_ =	swait.ge [sflag:s11], $0x800  }
0x73: {  	[sflag:s11] =	ssyncset.done $0x0  }
0x74: {  	[sflag:s11] =	ssyncadd.s32 $0xFFFFF800  }
0x75: {  	_ =	swait.ge [sflag:s11], $0x800  }
0x76: {  	[sflag:s11] =	ssyncset.done $0x0  }
0x77: {  	[sflag:s11] =	ssyncadd.s32 $0xFFFFF800  }
0x78: {  	_ =	swait.ge [sflag:s11], $0x800  }
0x79: {  	[sflag:s11] =	ssyncset.done $0x0  }
0x7a: {  	[sflag:s11] =	ssyncadd.s32 $0xFFFFF800  }
0x7b: {  	_ =	swait.ge [sflag:s11], $0x800  }
0x7c: {  	[sflag:s11] =	ssyncset.done $0x0  }
0x7d: {  	[sflag:s11] =	ssyncadd.s32 $0xFFFFF800  }
0x7e: {  	_ =	swait.ge [sflag:s11], $0x800  }
0x7f: {  	[sflag:s11] =	ssyncset.done $0x0  }
0x80: {  	[sflag:s11] =	ssyncadd.s32 $0xFFFFF800  }
0x81: {  	_ =	swait.ge [sflag:s11], $0x800  }
0x82: {  	[sflag:s11] =	ssyncset.done $0x0  }
0x83: {  	[sflag:s11] =	ssyncadd.s32 $0xFFFFF800  }
0x84: {  	_ =	swait.ge [sflag:s11], $0x800  }
0x85: {  	[sflag:s11] =	ssyncset.done $0x0  }
0x86: {  	[sflag:s11] =	ssyncadd.s32 $0xFFFFF800  }
0x87: {  	_ =	swait.ge [sflag:s11], $0x800  }
0x88: {  	[sflag:s11] =	ssyncset.done $0x0  }
0x89: {  	[sflag:s11] =	ssyncadd.s32 $0xFFFFF800  }
0x8a: {  	_ =	swait.ge [sflag:s11], $0x800  }
0x8b: {  	[sflag:s11] =	ssyncset.done $0x0  }
0x8c: {  	[sflag:s11] =	ssyncadd.s32 $0xFFFFF800  }
0x8d: {  	_ =	swait.ge [sflag:s11], $0x800  }
0x8e: {  	[sflag:s11] =	ssyncset.done $0x0  }
0x8f: {  	[sflag:s11] =	ssyncadd.s32 $0xFFFFF800  }
0x90: {  	_ =	swait.ge [sflag:s11], $0x800  }
0x91: {  	[sflag:s11] =	ssyncset.done $0x0  }
0x92: {  	[sflag:s11] =	ssyncadd.s32 $0xFFFFF800  }
0x93: {  	_ =	swait.ge [sflag:s11], $0x800  }
0x94: {  	[sflag:s11] =	ssyncset.done $0x0  }
0x95: {  	[sflag:s11] =	ssyncadd.s32 $0xFFFFF800  }
0x96: {  	_ =	swait.ge [sflag:s11], $0x800  }
0x97: {  	[sflag:s11] =	ssyncset.done $0x0  }
0x98: {  	[sflag:s11] =	ssyncadd.s32 $0xFFFFF800  }
0x99: {  	_ =	swait.ge [sflag:s11], $0x800  }
0x9a: {  	[sflag:s11] =	ssyncset.done $0x0  }
0x9b: {  	[sflag:s11] =	ssyncadd.s32 $0xFFFFF800  }
0x9c: {  	_ =	swait.ge [sflag:s11], $0x800  }
0x9d: {  	[sflag:s11] =	ssyncset.done $0x0  }
0x9e: {  	[sflag:s11] =	ssyncadd.s32 $0xFFFFF800  }
0x9f: {  	_ =	swait.ge [sflag:s11], $0x800  }
0xa0: {  	[sflag:s11] =	ssyncset.done $0x0  }
0xa1: {  	[sflag:s11] =	ssyncadd.s32 $0xFFFFF800  }
0xa2: {  	_ =	swait.ge [sflag:s11], $0x800  }
0xa3: {  	[sflag:s11] =	ssyncset.done $0x0  }
0xa4: {  	[sflag:s11] =	ssyncadd.s32 $0xFFFFF800  }
0xa5: {  	_ =	swait.ge [sflag:s11], $0x800  }
0xa6: {  	[sflag:s11] =	ssyncset.done $0x0  }
0xa7: {  	[sflag:s11] =	ssyncadd.s32 $0xFFFFF800  }
0xa8: {  	_ =	swait.ge [sflag:s11], $0x800  }
0xa9: {  	[sflag:s11] =	ssyncset.done $0x0  }
0xaa: {  	[sflag:s11] =	ssyncadd.s32 $0xFFFFF800  }
0xab: {  	_ =	swait.ge [sflag:s11], $0x800  }
0xac: {  	[sflag:s11] =	ssyncset.done $0x0  }
0xad: {  	[sflag:s11] =	ssyncadd.s32 $0xFFFFF800  }
0xae: {  	p1 =	por p0, p0;
	_ =	swait.ge [sflag:s11], $0x800  }
.Ltmp0:
0xaf: {  	[sflag:s11] =	ssyncset.done $0x0;
	(pc) =	sbr.rel @p1 .LBB2_2-.Ltmp0, $4  }
0xb0: {  	[sflag:s11] =	ssyncadd.s32 $0xFFFFF800  }
0xb1: {  	_ =	swait.ge [sflag:s11], $0x800  }
0xb2: {  	[sflag:s11] =	ssyncset.done $0x0  }
0xb3: {  	p0 =	por $0x0, $0x0;
	[sflag:s11] =	ssyncadd.s32 $0xFFFFF800  }
0xb4: {  	s10 =	sadd.s32 $0x1, s10  }
0xb5: {  	p0 =	sne.s32 s10, s6  }
.Ltmp1:
0xb6: {  	_ = 	snop;
	(pc) =	sbr.rel @p0 .LBB2_1-.Ltmp1, $4  }
0xb7: {  	[hbm4b:s5+s2] =	stream.linear.scatter [tilespmem:s9], [sflag:$0x2], $0x1B000, $0x38;
	[tilespmem:$0x1CB00] =	vst v63  }
0xb8: {  	_ =	swait.ge [sflag:s7], $0x1B000  }
0xb9: {  	[sflag:s7] =	ssyncset.done $0x0  }
0xba: {  	[sflag:s7] =	ssyncadd.s32 $0xFFFE5000  }
0xbb: {  	_ =	sfence.sel $0x180000  }
0xbc: {  	[bflag:$0x0] =	sbarrier.arrive $0xFFFF  }
0xbd: {  	p0 =	sne.s32 s0, $0x0;
	_ =	strace $0x90000047  }
0xbe: {  	s0 =	sadd.s32 @!p0 $0x100000, s1;
	[bflag:$0x2] =	sbarrier.arrive $0xFFFF  }
0xbf: {  	[sflag:s0] =	ssyncadd.tile.s32 @!p0 $0x1;
	_ =	shalt  }
.Lfunc_end2:
_tile_overlayer_lowered:
.L_overlay_start_2:
0xc0: {  	(tag) =	ssettag $0x2  }
0xc1: {  	s0 =	rddreg [dreg:$0x0];
	s2 =	stileid.u32  }
0xc2: {  	s1 =	rddreg [dreg:$0x1];
	p0 =	sne.s32 s2, $0x0  }
0xc3: {  	s3 =	rddreg [dreg:$0x2];
	[bflag:$0x3] =	sbarrier.arrive $0xFFFF;
	s2 =	simm.s32 @!p0 $0x1C02  }
0xc4: {  	[timem:s3], [sflag:s2] =	dma.local @!p0 [hbm:s0], s1  }
0xc5: {  	s0 =	simm.s32 @!p0 $0x2  }
0xc6: {  	_ =	swait.ge @!p0 [sflag:s0], s1  }
0xc7: {  	s1 =	ssub.s32 @!p0 $0x0, s1;
	[sflag:s0] =	ssyncset.done @!p0 $0x0  }
0xc8: {  	[sflag:s0] =	ssyncadd.s32 @!p0 s1  }
0xc9: {  	[bflag:$0x3] =	sbarrier.arrive $0xFFFF  }
0xca: {  	_ =	shalt  }

// kernel: kernel.9.cloned.1.call-start
scs
__scs_entry_jumppad:
0x0: {  	(pc) =	sbr.rel $0x88, $3  }
0x1: {  	(tag) =	ssettag $0x0;
	lr =	simm.s32 $0x1  }
0x2: {  	[smem:$0x3F99] =	sst lr;
	_ =	strace $0xD0000000  }
0x3: {  	_ = 	snop  }
0x4: {  	_ = 	snop  }
0x5: {  	_ = 	snop  }
0x6: {  	_ = 	snop  }
0x7: {  	_ = 	snop  }
__scs_overlays_trampoline_lowered:
0x8: {  	[smem:$0x3FA8] =	sst s0  }
0x9: {  	[smem:$0x3FA9] =	sst s1  }
0xa: {  	[smem:$0x3FAA] =	sst s2  }
0xb: {  	[smem:$0x3FAB] =	sst s3  }
0xc: {  	[smem:$0x3FAC] =	sst s4  }
0xd: {  	[smem:$0x3FAD] =	sst s5  }
0xe: {  	[smem:$0x3FAE] =	sst s6  }
0xf: {  	[smem:$0x3FAF] =	sst s7  }
0x10: {  	[smem:$0x3FB0] =	sst s8  }
0x11: {  	[smem:$0x3FB1] =	sst s9;
	s0 =	simm.s32 @!p0 $0x0  }
0x12: {  	s1 =	sld [smem:$0x3F97];
	s0 =	simm.s32 @p0 $0x1  }
0x13: {  	[smem:$0x3FB2] =	sst s0;
	s0 =	simm.s32 @!p1 $0x0  }
0x14: {  	s2 =	sld [smem:$0x3F96];
	s0 =	simm.s32 @p1 $0x1  }
0x15: {  	[smem:$0x3FB3] =	sst s0;
	s0 =	simm.s32 @!p2 $0x0  }
0x16: {  	s3 =	sld [smem:$0x3FDB];
	s0 =	simm.s32 @p2 $0x1  }
0x17: {  	s4 =	simm.s32 $0x1BF5;
	[smem:$0x3FB5] =	sst s0  }
0x18: {  	s0 =	sld [smem:$0x3F98];
	_ =	swait.ge [sflag:s4], $0x0  }
0x19: {  	s7 =	sld [smem:$0x3F99]  }
0x1a: {  	s8 =	sadd.s32 $0xFFFFE003, lr  }
0x1b: {  	s9 =	sadd.s32 $0xFFFFFEF7, lr;
	s5 =	simm.s32 $0xFFFFFFFF;
	p2 =	slt.u32 s8, $0xFFFFF086  }
0x1c: {  	p1 =	slt.u32 s9, $0xF7A;
	s5 =	simm.s32 @!p2 $0x0  }
0x1d: {  	s5 =	simm.s32 @p1 $0x1;
	p0 =	seq.s32 s7, s2  }
0x1e: {  	s7 =	smul.u32 @!p0 $0xF7A, s2;
	p2 =	seq.s32 @!p0 s5, $0x0  }
0x1f: {  	s9 =	smul.u32 $0xF7A, s1;
	s8 =	simm.s32 @!p0 $0x1BF5;
	p2 =	por !p2, p0  }
0x20: {  	[sflag:s8] =	ssyncset.s32 @!p0 $0xFFFFF086;
	s6 =	sadd.s32 @!p0 s3, s7;
	s7 =	simm.s32 @!p0 $0x108  }
0x21: {  	s3 =	sadd.s32 s3, s9;
	s6 =	sadd.s32 @!p0 $0x88, s6;
	s7 =	simm.s32 @p2 $0x1082  }
0x22: {  	[simem:s7], [sflag:s8] =	dma.local @!p0 [hbm:s6], $0xF7A  }
0x23: {  	s9 =	sor.u32 $0xD0000000, s2;
	s6 =	simm.s32 $0x108;
	_ =	swait.ge @!p0 [sflag:s8], $0x0  }
0x24: {  	s3 =	sadd.s32 $0x88, s3;
	s6 =	simm.s32 @!p1 $0x1082;
	[sflag:s4] =	ssyncset.s32 $0xFFFFF086  }
0x25: {  	[simem:s6], [sflag:s4] =	dma.local [hbm:s3], $0xF7A  }
0x26: {  	[smem:$0x3F99] =	sst s1;
	(tag) =	ssettag s2;
	_ =	strace s9  }
0x27: {  	s1 =	sld [smem:$0x3FA9]  }
0x28: {  	s2 =	sld [smem:$0x3FAA]  }
0x29: {  	s4 =	sld [smem:$0x3FAC]  }
0x2a: {  	p0 =	seq.s32 s5, $0x0;
	s5 =	sld [smem:$0x3FAD]  }
0x2b: {  	s6 =	sld [smem:$0x3FAE]  }
0x2c: {  	s7 =	sld [smem:$0x3FAF]  }
0x2d: {  	s3 =	simm.s32 $0x108;
	s8 =	sld [smem:$0x3FB0]  }
0x2e: {  	s3 =	simm.s32 @!p0 $0x1082;
	s9 =	sld [smem:$0x3FB1]  }
0x2f: {  	lr =	sadd.s32 s0, s3;
	s0 =	sld [smem:$0x3FA8]  }
0x30: {  	s3 =	sld [smem:$0x3FAB]  }
0x31: {  	[smem:$0x3FB4] =	sst s10  }
0x32: {  	s10 =	sld [smem:$0x3FB2];
	_ =	sdelay $0x3  }
0x33: {  	p0 =	seq.s32 s10, $0x1;
	s10 =	sld [smem:$0x3FB4];
	_ =	sdelay $0x3  }
0x34: {  	[smem:$0x3FB4] =	sst s10  }
0x35: {  	s10 =	sld [smem:$0x3FB3];
	_ =	sdelay $0x3  }
0x36: {  	p1 =	seq.s32 s10, $0x1;
	s10 =	sld [smem:$0x3FB4];
	_ =	sdelay $0x3  }
0x37: {  	[smem:$0x3FB4] =	sst s10  }
0x38: {  	s10 =	sld [smem:$0x3FB5]  }
0x39: {  	_ = 	snop;
	(pc) =	sbr.ind lr, $3  }
0x3a: {  	_ = 	snop  }
0x3b: {  	_ = 	snop  }
0x3c: {  	p2 =	seq.s32 s10, $0x1;
	s10 =	sld [smem:$0x3FB4]  }
0x3d: {  	_ =	shalt  }
0x3e: {  	_ =	shalt  }
0x3f: {  	_ =	shalt  }
0x40: {  	_ =	shalt  }
0x41: {  	_ =	shalt  }
0x42: {  	_ =	shalt  }
0x43: {  	_ =	shalt  }
0x44: {  	_ =	shalt  }
0x45: {  	_ =	shalt  }
0x46: {  	_ =	shalt  }
0x47: {  	_ =	shalt  }
0x48: {  	_ =	shalt  }
0x49: {  	_ =	shalt  }
0x4a: {  	_ =	shalt  }
0x4b: {  	_ =	shalt  }
0x4c: {  	_ =	shalt  }
0x4d: {  	_ =	shalt  }
0x4e: {  	_ =	shalt  }
0x4f: {  	_ =	shalt  }
0x50: {  	_ =	shalt  }
0x51: {  	_ =	shalt  }
0x52: {  	_ =	shalt  }
0x53: {  	_ =	shalt  }
0x54: {  	_ =	shalt  }
0x55: {  	_ =	shalt  }
0x56: {  	_ =	shalt  }
0x57: {  	_ =	shalt  }
0x58: {  	_ =	shalt  }
0x59: {  	_ =	shalt  }
0x5a: {  	_ =	shalt  }
0x5b: {  	_ =	shalt  }
0x5c: {  	_ =	shalt  }
0x5d: {  	_ =	shalt  }
0x5e: {  	_ =	shalt  }
0x5f: {  	_ =	shalt  }
0x60: {  	_ =	shalt  }
0x61: {  	_ =	shalt  }
0x62: {  	_ =	shalt  }
0x63: {  	_ =	shalt  }
0x64: {  	_ =	shalt  }
0x65: {  	_ =	shalt  }
0x66: {  	_ =	shalt  }
0x67: {  	_ =	shalt  }
0x68: {  	_ =	shalt  }
0x69: {  	_ =	shalt  }
0x6a: {  	_ =	shalt  }
0x6b: {  	_ =	shalt  }
0x6c: {  	_ =	shalt  }
0x6d: {  	_ =	shalt  }
0x6e: {  	_ =	shalt  }
0x6f: {  	_ =	shalt  }
0x70: {  	_ =	shalt  }
0x71: {  	_ =	shalt  }
0x72: {  	_ =	shalt  }
0x73: {  	_ =	shalt  }
0x74: {  	_ =	shalt  }
0x75: {  	_ =	shalt  }
0x76: {  	_ =	shalt  }
0x77: {  	_ =	shalt  }
0x78: {  	_ =	shalt  }
0x79: {  	_ =	shalt  }
0x7a: {  	_ =	shalt  }
0x7b: {  	_ =	shalt  }
0x7c: {  	_ =	shalt  }
0x7d: {  	_ =	shalt  }
0x7e: {  	_ =	shalt  }
0x7f: {  	_ =	shalt  }
0x80: {  	_ =	shalt  }
0x81: {  	_ =	shalt  }
0x82: {  	_ =	shalt  }
0x83: {  	_ =	shalt  }
0x84: {  	_ =	shalt  }
0x85: {  	_ =	shalt  }
0x86: {  	_ =	shalt  }
0x87: {  	_ =	shalt  }
.Lfunc_end0:
.L_simem_size_0:
called_computation.1_lowered:
.L_overlay_start_0:
0x88: {  	s2 =	sld [smem:$0x3FD9]  }
0x89: {  	s3 =	sld [smem:$0x3FFE];
	_ =	sdelay $0x1  }
0x8a: {  	s1 =	srdreg.scid  }
0x8b: {  	s0 =	sand.u32 $0x1, s1  }
0x8c: {  	s16 =	sshll.u32 s0, $0xA;
	s2 =	sadd.s32 s3, s2  }
0x8d: {  	s2 =	sadd.s32 s2, s16  }
0x8e: {  	[smem:$0x3FC0] =	sst s2  }
0x8f: {  	_ = 	snop  }
0x90: {  	s17 =	sld [smem:$0x3FD0];
	_ =	sdelay $0x2  }
0x91: {  	s5 =	simm.s32 $0xB;
	s4 =	simm.s32 $0x10;
	s2 =	sld [smem:$0x3FC3]  }
0x92: {  	[smem:s4], [sflag:s5] =	dma.local [hbm:s17], $0x1  }
0x93: {  	_ =	swait.eq [sflag:s5], $0x1  }
0x94: {  	[sflag:s5] =	ssyncset.done $0x0  }
0x95: {  	s18 =	sld [smem:$0x12];
	[sflag:s5] =	ssyncadd.s32 $0xFFFFFFFF  }
0x96: {  	s19 =	sld [smem:$0x14];
	(tm) =	ssettm $0x1  }
0x97: {  	s20 =	sld [smem:$0x3FFB];
	_ =	sdelay $0x3  }
0x98: {  	_ =	strace s20  }
0x99: {  	s3 =	sld [smem:$0x3FFC];
	_ =	sdelay $0x3  }
0x9a: {  	_ =	strace s3  }
0x9b: {  	s3 =	sld [smem:$0x3FFD];
	_ =	sdelay $0x3  }
0x9c: {  	_ =	strace s3  }
0x9d: {  	_ =	strace $0x8FFFFFFF  }
0x9e: {  	s21 =	sld [smem:$0x3FDB];
	_ =	sdelay $0x1  }
0x9f: {  	s6 =	simm.s32 $_scs_section_size  }
0xa0: {  	s7 =	simm.s32 $_size__tile_overlayer_lowered;
	s8 =	simm.s32 $_tile_overlayer_lowered  }
0xa1: {  	s9 =	simm.s32 $0x1BFF;
	s22 =	sshll.u32 s8, $0x1;
	s6 =	sadd.s32 s6, s21  }
0xa2: {  	s23 =	simm.s32 $0x0;
	s7 =	sshll.u32 s7, $0x1;
	s8 =	sadd.s32 s22, s6  }
0xa3: {  	[timem:s23], [sflag:s9] =	dma.local [hbm:s8], s7  }
0xa4: {  	_ =	swait.ge [sflag:s9], s7  }
0xa5: {  	s7 =	ssub.s32 $0x0, s7;
	[sflag:s9] =	ssyncset.done $0x0  }
0xa6: {  	[sflag:s9] =	ssyncadd.s32 s7;
	_ =	sdelay $0x1  }
0xa7: {  	s24 =	simm.s32 $0x1B8B  }
0xa8: {  	_ =	swait.ge [sflag:s24], $0x1  }
0xa9: {  	[sflag:s24] =	ssyncset.done $0x0  }
0xaa: {  	[sflag:s24] =	ssyncadd.s32 $0xFFFFFFFF  }
0xab: {  	s7 =	sld [smem:$0x0]  }
0xac: {  	s8 =	sand.u32 $0xFFFFFFFE, s1  }
0xad: {  	p0 =	sne.s32 s1, s8  }
0xae: {  	s8 =	sshll.u32 @p0 s8, $0xE  }
0xaf: {  	s8 =	sadd.s32 @p0 $0x11B8D, s8;
	s9 =	sshll.u32 @p0 s7, $0x11  }
0xb0: {  	s8 =	sor.u32 @p0 s9, s8  }
0xb1: {  	[sflag:s8] =	ssyncadd.remote.s32 @p0 $0x1;
	_ =	sdelay $0x1  }
0xb2: {  	s8 =	simm.s32 @p0 $0x1B8D  }
0xb3: {  	_ =	swait.eq @p0 [sflag:s8], $0x1  }
0xb4: {  	[sflag:s8] =	ssyncadd.s32 @p0 $0xFFFFFFFF  }
0xb5: {  	s9 =	sshll.u32 @!p0 s1, $0xE  }
0xb6: {  	s9 =	sor.u32 @!p0 $0x4000, s9;
	s8 =	simm.s32 @!p0 $0x1B8D  }
0xb7: {  	s7 =	sshll.u32 @!p0 s7, $0x11;
	s9 =	sadd.s32 @!p0 $0x11B8D, s9;
	_ =	swait.eq @!p0 [sflag:s8], $0x1  }
0xb8: {  	s7 =	sor.u32 @!p0 s7, s9;
	[sflag:s8] =	ssyncadd.s32 @!p0 $0xFFFFFFFF  }
0xb9: {  	s25 =	simm.s32 $0x1B8E;
	[sflag:s7] =	ssyncadd.remote.s32 @!p0 $0x1  }
0xba: {  	s26 =	simm.s32 $execute0_lowered;
	[smem:$0x3FD2] =	sst s25  }
0xbb: {  	s7 =	sshll.u32 s26, $0x1;
	_ =	strace $0x80000049;
	[dreg:$0x1] =	wrdreg $0xFFFFFFFF  }
0xbc: {  	s28 =	simm.s32 $_size_execute0_lowered;
	s6 =	sadd.s32 s6, s7;
	[dreg:$0x0] =	wrdreg $0x0  }
0xbd: {  	s7 =	sshll.u32 s28, $0x1;
	[dreg:$0x2] =	wrdreg s6  }
0xbe: {  	[dreg:$0x3] =	wrdreg s7  }
0xbf: {  	[dreg:$0x4] =	wrdreg $0xC0  }
0xc0: {  	_ =	task [dreg:s23], $0x5FFFF  }
0xc1: {  	[dreg:$0x1] =	wrdreg $0xFFFFFFFF  }
0xc2: {  	[dreg:$0x0] =	wrdreg $0x60  }
0xc3: {  	[dreg:$0x2] =	wrdreg s2  }
0xc4: {  	[dreg:$0x3] =	wrdreg s19  }
0xc5: {  	[dreg:$0x4] =	wrdreg s18  }
0xc6: {  	[dreg:$0x5] =	wrdreg $0xA  }
0xc7: {  	_ =	task.clear_ibuf [dreg:s23], $0x6FFFF;
	_ =	strace $0x90000049  }
0xc8: {  	s29 =	simm.s32 $0xA;
	_ =	strace $0x8000004B  }
0xc9: {  	_ =	swait.ge [sflag:s29], $0x1  }
0xca: {  	[sflag:s29] =	ssyncadd.s32 $0xFFFFFFFF  }
0xcb: {  	_ =	strace $0x9000004B  }
0xcc: {  	_ =	sfence  }
0xcd: {  	s30 =	sld [smem:$0x0];
	_ =	sdelay $0x2  }
0xce: {  	s31 =	sshll.u32 s1, $0xD;
	s1 =	sshrl.u32 s1, $0x2  }
0xcf: {  	s4 =	sand.u32 $0x4000, s31;
	s1 =	sadd.s32 s1, s30  }
0xd0: {  	s0 =	sor.u32 s4, s0;
	s1 =	sshll.u32 s1, $0x11  }
0xd1: {  	s0 =	sor.u32 s1, s0  }
0xd2: {  	s0 =	sadd.s32 $0x8F2B, s0  }
0xd3: {  	[sflag:s0] =	ssyncadd.remote.s32 $0x1  }
0xd4: {  	_ =	sfence.sel $0xFFFF  }
0xd5: {  	[dreg:$0x0] =	wrdreg $0xFFFFFFFF;
	(pc) =	sbr.abs _section_cstart, $3  }
0xd6: {  	[dreg:$0x1] =	wrdreg $0xFFFFFFFF  }
0xd7: {  	_ =	task.clear_ibuf [dreg:s23], $0x2FFFF;
	_ =	strace $0x9FFFFFFF  }
0xd8: {  	(tm) =	ssettm $0x7FFFFFFF  }
0xd9: {  	_ =	shalt  }
tec
execute0_lowered:
.L_overlay_start_1:
0x0: {  	(tag) =	ssettag $0x1  }
0x1: {  	s1 =	rddreg [dreg:$0x0]  }
0x2: {  	s2 =	rddreg [dreg:$0x1];
	s3 =	srdreg.scid  }
0x3: {  	s4 =	rddreg [dreg:$0x2];
	s5 =	sand.u32 $0x1, s3;
	s3 =	simm.s32 $0x0  }
0x4: {  	s17 =	simm.s32 $0x900;
	[smem:$0x7FF] =	sst s3  }
0x5: {  	s18 =	simm.s32 $0x1100;
	_ =	strace $0x8000004A;
	[dreg:$0x6] =	wrdreg s17  }
0x6: {  	s19 =	simm.s32 $0x1900;
	[dreg:$0x7] =	wrdreg s18  }
0x7: {  	s20 =	simm.s32 $0x2100;
	[dreg:$0x8] =	wrdreg s19  }
0x8: {  	s21 =	simm.s32 $0x2900;
	[dreg:$0x9] =	wrdreg s20  }
0x9: {  	s22 =	simm.s32 $0x3100;
	[dreg:$0xa] =	wrdreg s21  }
0xa: {  	s23 =	simm.s32 $0x3900;
	[dreg:$0xb] =	wrdreg s22  }
0xb: {  	s24 =	simm.s32 $0x4100;
	[dreg:$0xc] =	wrdreg s23  }
0xc: {  	s25 =	simm.s32 $0x4900;
	[dreg:$0xd] =	wrdreg s24  }
0xd: {  	s0 =	stileid.u32;
	s26 =	simm.s32 $0x5100;
	[dreg:$0xe] =	wrdreg s25  }
0xe: {  	s6 =	sshll.u32 s0, $0x1;
	s0 =	simm.s32 $0x5900;
	[dreg:$0xf] =	wrdreg s26  }
0xf: {  	s8 =	simm.s32 $0x7900;
	[dreg:$0x10] =	wrdreg s0  }
0x10: {  	s9 =	simm.s32 $0x8100;
	[dreg:$0x14] =	wrdreg s8  }
0x11: {  	s10 =	simm.s32 $0x8900;
	[dreg:$0x15] =	wrdreg s9  }
0x12: {  	s11 =	simm.s32 $0x9100;
	s12 =	simm.s32 $0x9900;
	[dreg:$0x16] =	wrdreg s10  }
0x13: {  	s13 =	simm.s32 $0xA100;
	s14 =	simm.s32 $0xA900;
	[dreg:$0x17] =	wrdreg s11  }
0x14: {  	s15 =	simm.s32 $0xB100;
	s28 =	simm.s32 $0x19100;
	[dreg:$0x18] =	wrdreg s12  }
0x15: {  	s29 =	simm.s32 $0x19900;
	s30 =	simm.s32 $0x1A100;
	[dreg:$0x19] =	wrdreg s13  }
0x16: {  	s31 =	simm.s32 $0x1A900;
	s6 =	sor.u32 s5, s6;
	[dreg:$0x1a] =	wrdreg s14  }
0x17: {  	s7 =	sshll.u32 s6, $0x5;
	s6 =	smul.u32 $0x3600, s6;
	[dreg:$0x1b] =	wrdreg s15  }
0x18: {  	s17 =	ssub.s32 $0x2, s5;
	s18 =	simm.s32 $0xC100;
	s19 =	simm.s32 $0xC900  }
0x19: {  	s21 =	simm.s32 $0xD100;
	s22 =	simm.s32 $0xD900;
	[dreg:$0x1d] =	wrdreg s18  }
0x1a: {  	s23 =	simm.s32 $0xE100;
	s24 =	simm.s32 $0xE900;
	[dreg:$0x1e] =	wrdreg s19  }
0x1b: {  	s25 =	simm.s32 $0xF100;
	s8 =	simm.s32 $0x100;
	[dreg:$0x1f] =	wrdreg s21  }
0x1c: {  	s26 =	simm.s32 $0xF900;
	s10 =	simm.s32 $0x10900;
	[smem:$0x7F9] =	sst s22  }
0x1d: {  	s11 =	simm.s32 $0x11100;
	s12 =	simm.s32 $0x11900;
	[smem:$0x7FA] =	sst s23  }
0x1e: {  	s13 =	simm.s32 $0x12100;
	s14 =	simm.s32 $0x12900;
	[smem:$0x7FB] =	sst s24  }
0x1f: {  	s15 =	simm.s32 $0x13100;
	s2 =	sadd.s32 s2, s7;
	[smem:$0x7FC] =	sst s25  }
0x20: {  	s7 =	simm.s32 $0x7100;
	s5 =	sshrl.u32 s17, $0x1;
	[smem:$0x7FD] =	sst s26  }
0x21: {  	s18 =	simm.s32 $0x14900;
	s19 =	simm.s32 $0x15100;
	s21 =	simm.s32 $0x16100  }
0x22: {  	s22 =	simm.s32 $0x16900;
	s23 =	simm.s32 $0x17100;
	s24 =	simm.s32 $0x17900  }
0x23: {  	s25 =	simm.s32 $0x18100;
	s26 =	simm.s32 $0x18900;
	[dreg:$0x4] =	wrdreg s2  }
0x24: {  	s16 =	sadd.s32 s4, s6;
	s4 =	simm.s32 $0x6100;
	[dreg:$0x13] =	wrdreg s7  }
0x25: {  	s6 =	simm.s32 $0x6900;
	s20 =	ssub.s32 s17, s5;
	[dreg:$0x5] =	wrdreg s16  }
0x26: {  	s5 =	sadd.s32 $0x200, s1;
	s7 =	simm.s32 $0x2;
	[dreg:$0x11] =	wrdreg s4  }
0x27: {  	v2 =	vlaneseq.u32;
	s17 =	simm.s32 $0x14100;
	s2 =	simm.s32 $0x1;
	[dreg:$0x12] =	wrdreg s6  }
0x28: {  	vm0 =	vmmov $0xffff;
	v1 =	vshrl.u32 v2, $0x3;
	s16 =	simm.s32 $0xB900;
	s4 =	sadd.s32 $0x100, s1;
	s6 =	smax.u32 s20, $0x1  }
0x29: {  	v0 =	vand.u32 $0x7, v2;
	v2 =	vor.u32 $0x8, v2;
	v1 =	vmul.u32 $0x8, v1;
	s20 =	simm.s32 $0x15900;
	[dreg:$0x1c] =	wrdreg s16;
	s16 =	simm.s32 $0x13900  }
.LBB2_1:
0x2a: {  	s0 =	rddreg [dreg:$0x4]  }
0x2b: {  	[tilespmem:s3], [sflag:$0x2] =	stream.linear.gather [hbm4b:s0+s3], $0x100, $0x38;
	[tilespmem:$0x1B100] =	vst v63  }
0x2c: {  	_ =	swait.ge [sflag:s7], $0x100  }
0x2d: {  	[sflag:s7] =	ssyncset.done $0x0  }
0x2e: {  	[sflag:s7] =	ssyncadd.s32 $0xFFFFFF00  }
0x2f: {  	v3 =	vld [tilespmem:$0x0];
	_ =	sdelay $0x4  }
0x30: {  	v4 =	vshrl.u32 v3, $0x3  }
0x31: {  	v4 =	vmul.u32 $0x30, v4  }
0x32: {  	v3 =	vand.u32 $0x7, v3  }
0x33: {  	v3 =	vor.u32 v3, v4  }
0x34: {  	v4 =	vperm.xlane v3, v0;
	_ =	sdelay $0x1  }
0x35: {  	v4 =	vadd.s32 v1, v4;
	_ =	sdelay $0x3  }
0x36: {  	v3 =	vperm.xlane v3, v2  }
0x37: {  	[tilespmem:s8], [sflag:$0x1] =	stream.indirect_vreg.gather [hbm4b:s1+s3], $0x80, v4, vm0, $0xb8;
	[tilespmem:$0x1B100] =	vst v63  }
0x38: {  	s0 =	rddreg [dreg:$0x6];
	v3 =	vadd.s32 v1, v3  }
0x39: {  	[tilespmem:s0], [sflag:$0x1] =	stream.indirect_vreg.gather [hbm4b:s4+s3], $0x80, v4, vm0, $0xb8;
	[tilespmem:$0x1B100] =	vst v63  }
0x3a: {  	s9 =	rddreg [dreg:$0x7]  }
0x3b: {  	[tilespmem:s9], [sflag:$0x1] =	stream.indirect_vreg.gather [hbm4b:s5+s3], $0x80, v4, vm0, $0xb8;
	[tilespmem:$0x1B100] =	vst v63  }
0x3c: {  	s0 =	rddreg [dreg:$0x8]  }
0x3d: {  	[tilespmem:s0], [sflag:$0x1] =	stream.indirect_vreg.gather [hbm4b:s1+s3], $0x80, v3, vm0, $0xb8;
	[tilespmem:$0x1B100] =	vst v63  }
0x3e: {  	s9 =	rddreg [dreg:$0x9]  }
0x3f: {  	[tilespmem:s9], [sflag:$0x1] =	stream.indirect_vreg.gather [hbm4b:s4+s3], $0x80, v3, vm0, $0xb8;
	[tilespmem:$0x1B100] =	vst v63  }
0x40: {  	s0 =	rddreg [dreg:$0xa]  }
0x41: {  	[tilespmem:s0], [sflag:$0x1] =	stream.indirect_vreg.gather [hbm4b:s5+s3], $0x80, v3, vm0, $0xb8;
	[tilespmem:$0x1B100] =	vst v63  }
0x42: {  	v3 =	vld [tilespmem:$0x10];
	_ =	sdelay $0x4  }
0x43: {  	v55 =	vshrl.u32 v3, $0x3  }
0x44: {  	v4 =	vmul.u32 $0x30, v55  }
0x45: {  	v3 =	vand.u32 $0x7, v3  }
0x46: {  	v3 =	vor.u32 v3, v4  }
0x47: {  	v4 =	vperm.xlane v3, v0;
	_ =	sdelay $0x1  }
0x48: {  	v4 =	vadd.s32 v1, v4;
	_ =	sdelay $0x3  }
0x49: {  	s0 =	rddreg [dreg:$0xb];
	v3 =	vperm.xlane v3, v2  }
0x4a: {  	[tilespmem:s0], [sflag:$0x1] =	stream.indirect_vreg.gather [hbm4b:s1+s3], $0x80, v4, vm0, $0xb8;
	[tilespmem:$0x1B100] =	vst v63  }
0x4b: {  	s9 =	rddreg [dreg:$0xc];
	v3 =	vadd.s32 v1, v3  }
0x4c: {  	[tilespmem:s9], [sflag:$0x1] =	stream.indirect_vreg.gather [hbm4b:s4+s3], $0x80, v4, vm0, $0xb8;
	[tilespmem:$0x1B100] =	vst v63  }
0x4d: {  	s0 =	rddreg [dreg:$0xd]  }
0x4e: {  	[tilespmem:s0], [sflag:$0x1] =	stream.indirect_vreg.gather [hbm4b:s5+s3], $0x80, v4, vm0, $0xb8;
	[tilespmem:$0x1B100] =	vst v63  }
0x4f: {  	s9 =	rddreg [dreg:$0xe]  }
0x50: {  	[tilespmem:s9], [sflag:$0x1] =	stream.indirect_vreg.gather [hbm4b:s1+s3], $0x80, v3, vm0, $0xb8;
	[tilespmem:$0x1B100] =	vst v63  }
0x51: {  	s0 =	rddreg [dreg:$0xf]  }
0x52: {  	[tilespmem:s0], [sflag:$0x1] =	stream.indirect_vreg.gather [hbm4b:s4+s3], $0x80, v3, vm0, $0xb8;
	[tilespmem:$0x1B100] =	vst v63  }
0x53: {  	s9 =	rddreg [dreg:$0x10]  }
0x54: {  	[tilespmem:s9], [sflag:$0x1] =	stream.indirect_vreg.gather [hbm4b:s5+s3], $0x80, v3, vm0, $0xb8;
	[tilespmem:$0x1B100] =	vst v63  }
0x55: {  	v3 =	vld [tilespmem:$0x20];
	_ =	sdelay $0x4  }
0x56: {  	v56 =	vshrl.u32 v3, $0x3  }
0x57: {  	v4 =	vmul.u32 $0x30, v56  }
0x58: {  	v3 =	vand.u32 $0x7, v3  }
0x59: {  	v3 =	vor.u32 v3, v4  }
0x5a: {  	v4 =	vperm.xlane v3, v0;
	_ =	sdelay $0x1  }
0x5b: {  	v4 =	vadd.s32 v1, v4;
	_ =	sdelay $0x3  }
0x5c: {  	s0 =	rddreg [dreg:$0x11];
	v3 =	vperm.xlane v3, v2  }
0x5d: {  	[tilespmem:s0], [sflag:$0x1] =	stream.indirect_vreg.gather [hbm4b:s1+s3], $0x80, v4, vm0, $0xb8;
	[tilespmem:$0x1B100] =	vst v63  }
0x5e: {  	s9 =	rddreg [dreg:$0x12];
	v3 =	vadd.s32 v1, v3  }
0x5f: {  	[tilespmem:s9], [sflag:$0x1] =	stream.indirect_vreg.gather [hbm4b:s4+s3], $0x80, v4, vm0, $0xb8;
	[tilespmem:$0x1B100] =	vst v63  }
0x60: {  	s0 =	rddreg [dreg:$0x13]  }
0x61: {  	[tilespmem:s0], [sflag:$0x1] =	stream.indirect_vreg.gather [hbm4b:s5+s3], $0x80, v4, vm0, $0xb8;
	[tilespmem:$0x1B100] =	vst v63  }
0x62: {  	s9 =	rddreg [dreg:$0x14]  }
0x63: {  	[tilespmem:s9], [sflag:$0x1] =	stream.indirect_vreg.gather [hbm4b:s1+s3], $0x80, v3, vm0, $0xb8;
	[tilespmem:$0x1B100] =	vst v63  }
0x64: {  	s0 =	rddreg [dreg:$0x15]  }
0x65: {  	[tilespmem:s0], [sflag:$0x1] =	stream.indirect_vreg.gather [hbm4b:s4+s3], $0x80, v3, vm0, $0xb8;
	[tilespmem:$0x1B100] =	vst v63  }
0x66: {  	s9 =	rddreg [dreg:$0x16]  }
0x67: {  	[tilespmem:s9], [sflag:$0x1] =	stream.indirect_vreg.gather [hbm4b:s5+s3], $0x80, v3, vm0, $0xb8;
	[tilespmem:$0x1B100] =	vst v63  }
0x68: {  	v3 =	vld [tilespmem:$0x30];
	_ =	sdelay $0x4  }
0x69: {  	v57 =	vshrl.u32 v3, $0x3  }
0x6a: {  	v4 =	vmul.u32 $0x30, v57  }
0x6b: {  	v3 =	vand.u32 $0x7, v3  }
0x6c: {  	v3 =	vor.u32 v3, v4  }
0x6d: {  	v4 =	vperm.xlane v3, v0;
	_ =	sdelay $0x1  }
0x6e: {  	v4 =	vadd.s32 v1, v4;
	_ =	sdelay $0x3  }
0x6f: {  	s0 =	rddreg [dreg:$0x17];
	v3 =	vperm.xlane v3, v2  }
0x70: {  	[tilespmem:s0], [sflag:$0x1] =	stream.indirect_vreg.gather [hbm4b:s1+s3], $0x80, v4, vm0, $0xb8;
	[tilespmem:$0x1B100] =	vst v63  }
0x71: {  	s9 =	rddreg [dreg:$0x18];
	v3 =	vadd.s32 v1, v3  }
0x72: {  	[tilespmem:s9], [sflag:$0x1] =	stream.indirect_vreg.gather [hbm4b:s4+s3], $0x80, v4, vm0, $0xb8;
	[tilespmem:$0x1B100] =	vst v63  }
0x73: {  	s0 =	rddreg [dreg:$0x19]  }
0x74: {  	[tilespmem:s0], [sflag:$0x1] =	stream.indirect_vreg.gather [hbm4b:s5+s3], $0x80, v4, vm0, $0xb8;
	[tilespmem:$0x1B100] =	vst v63  }
0x75: {  	s9 =	rddreg [dreg:$0x1a]  }
0x76: {  	[tilespmem:s9], [sflag:$0x1] =	stream.indirect_vreg.gather [hbm4b:s1+s3], $0x80, v3, vm0, $0xb8;
	[tilespmem:$0x1B100] =	vst v63  }
0x77: {  	s0 =	rddreg [dreg:$0x1b]  }
0x78: {  	[tilespmem:s0], [sflag:$0x1] =	stream.indirect_vreg.gather [hbm4b:s4+s3], $0x80, v3, vm0, $0xb8;
	[tilespmem:$0x1B100] =	vst v63  }
0x79: {  	s9 =	rddreg [dreg:$0x1c]  }
0x7a: {  	[tilespmem:s9], [sflag:$0x1] =	stream.indirect_vreg.gather [hbm4b:s5+s3], $0x80, v3, vm0, $0xb8;
	[tilespmem:$0x1B100] =	vst v63  }
0x7b: {  	v3 =	vld.msk [tilespmem:$0x40], $0xff;
	_ =	sdelay $0x4  }
0x7c: {  	v58 =	vshrl.u32 v3, $0x3  }
0x7d: {  	v4 =	vmul.u32 $0x30, v58  }
0x7e: {  	v3 =	vand.u32 $0x7, v3  }
0x7f: {  	v3 =	vor.u32 v3, v4  }
0x80: {  	v3 =	vperm.xlane v3, v0;
	_ =	sdelay $0x1  }
0x81: {  	v3 =	vadd.s32 v1, v3;
	_ =	sdelay $0x3  }
0x82: {  	s0 =	rddreg [dreg:$0x1d]  }
0x83: {  	[tilespmem:s0], [sflag:$0x1] =	stream.indirect_vreg.gather [hbm4b:s1+s3], $0x80, v3, vm0, $0xb8;
	[tilespmem:$0x1B100] =	vst v63  }
0x84: {  	s9 =	rddreg [dreg:$0x1e]  }
0x85: {  	[tilespmem:s9], [sflag:$0x1] =	stream.indirect_vreg.gather [hbm4b:s4+s3], $0x80, v3, vm0, $0xb8;
	[tilespmem:$0x1B100] =	vst v63  }
0x86: {  	s0 =	rddreg [dreg:$0x1f]  }
0x87: {  	[tilespmem:s0], [sflag:$0x1] =	stream.indirect_vreg.gather [hbm4b:s5+s3], $0x80, v3, vm0, $0xb8;
	[tilespmem:$0x1B100] =	vst v63  }
0x88: {  	v3 =	vld [tilespmem:$0x80];
	_ =	sdelay $0x4  }
0x89: {  	v59 =	vshrl.u32 v3, $0x3  }
0x8a: {  	v4 =	vmul.u32 $0x30, v59  }
0x8b: {  	v3 =	vand.u32 $0x7, v3  }
0x8c: {  	v3 =	vor.u32 v3, v4  }
0x8d: {  	v4 =	vperm.xlane v3, v0;
	_ =	sdelay $0x1  }
0x8e: {  	v4 =	vadd.s32 v1, v4;
	_ =	sdelay $0x1  }
0x8f: {  	s0 =	sld [smem:$0x7F9];
	_ =	sdelay $0x1  }
0x90: {  	s9 =	sld [smem:$0x7FA];
	v3 =	vperm.xlane v3, v2  }
0x91: {  	[tilespmem:s0], [sflag:$0x1] =	stream.indirect_vreg.gather [hbm4b:s1+s3], $0x80, v4, vm0, $0xb8;
	[tilespmem:$0x1B100] =	vst v63  }
0x92: {  	v3 =	vadd.s32 v1, v3;
	s0 =	sld [smem:$0x7FB]  }
0x93: {  	[tilespmem:s9], [sflag:$0x1] =	stream.indirect_vreg.gather [hbm4b:s4+s3], $0x80, v4, vm0, $0xb8;
	[tilespmem:$0x1B100] =	vst v63  }
0x94: {  	s9 =	sld [smem:$0x7FC]  }
0x95: {  	[tilespmem:s0], [sflag:$0x1] =	stream.indirect_vreg.gather [hbm4b:s5+s3], $0x80, v4, vm0, $0xb8;
	[tilespmem:$0x1B100] =	vst v63  }
0x96: {  	s0 =	sld [smem:$0x7FD]  }
0x97: {  	[tilespmem:s9], [sflag:$0x1] =	stream.indirect_vreg.gather [hbm4b:s1+s3], $0x80, v3, vm0, $0xb8;
	[tilespmem:$0x1B100] =	vst v63  }
0x98: {  	_ = 	snop  }
0x99: {  	[tilespmem:s0], [sflag:$0x1] =	stream.indirect_vreg.gather [hbm4b:s4+s3], $0x80, v3, vm0, $0xb8;
	[tilespmem:$0x1B100] =	vst v63  }
0x9a: {  	s9 =	simm.s32 $0x10100  }
0x9b: {  	[tilespmem:s9], [sflag:$0x1] =	stream.indirect_vreg.gather [hbm4b:s5+s3], $0x80, v3, vm0, $0xb8;
	[tilespmem:$0x1B100] =	vst v63  }
0x9c: {  	v3 =	vld [tilespmem:$0x90];
	_ =	sdelay $0x4  }
0x9d: {  	v60 =	vshrl.u32 v3, $0x3  }
0x9e: {  	v4 =	vmul.u32 $0x30, v60  }
0x9f: {  	v3 =	vand.u32 $0x7, v3  }
0xa0: {  	v3 =	vor.u32 v3, v4  }
0xa1: {  	v4 =	vperm.xlane v3, v0;
	_ =	sdelay $0x1  }
0xa2: {  	v4 =	vadd.s32 v1, v4;
	_ =	sdelay $0x3  }
0xa3: {  	v3 =	vperm.xlane v3, v2  }
0xa4: {  	[tilespmem:s10], [sflag:$0x1] =	stream.indirect_vreg.gather [hbm4b:s1+s3], $0x80, v4, vm0, $0xb8;
	[tilespmem:$0x1B100] =	vst v63  }
0xa5: {  	v3 =	vadd.s32 v1, v3  }
0xa6: {  	[tilespmem:s11], [sflag:$0x1] =	stream.indirect_vreg.gather [hbm4b:s4+s3], $0x80, v4, vm0, $0xb8;
	[tilespmem:$0x1B100] =	vst v63  }
0xa7: {  	_ = 	snop  }
0xa8: {  	[tilespmem:s12], [sflag:$0x1] =	stream.indirect_vreg.gather [hbm4b:s5+s3], $0x80, v4, vm0, $0xb8;
	[tilespmem:$0x1B100] =	vst v63  }
0xa9: {  	_ = 	snop  }
0xaa: {  	[tilespmem:s13], [sflag:$0x1] =	stream.indirect_vreg.gather [hbm4b:s1+s3], $0x80, v3, vm0, $0xb8;
	[tilespmem:$0x1B100] =	vst v63  }
0xab: {  	_ = 	snop  }
0xac: {  	[tilespmem:s14], [sflag:$0x1] =	stream.indirect_vreg.gather [hbm4b:s4+s3], $0x80, v3, vm0, $0xb8;
	[tilespmem:$0x1B100] =	vst v63  }
0xad: {  	_ = 	snop  }
0xae: {  	[tilespmem:s15], [sflag:$0x1] =	stream.indirect_vreg.gather [hbm4b:s5+s3], $0x80, v3, vm0, $0xb8;
	[tilespmem:$0x1B100] =	vst v63  }
0xaf: {  	v3 =	vld [tilespmem:$0xA0];
	_ =	sdelay $0x4  }
0xb0: {  	v61 =	vshrl.u32 v3, $0x3  }
0xb1: {  	v4 =	vmul.u32 $0x30, v61  }
0xb2: {  	v3 =	vand.u32 $0x7, v3  }
0xb3: {  	v3 =	vor.u32 v3, v4  }
0xb4: {  	v4 =	vperm.xlane v3, v0;
	_ =	sdelay $0x1  }
0xb5: {  	v4 =	vadd.s32 v1, v4;
	_ =	sdelay $0x3  }
0xb6: {  	v3 =	vperm.xlane v3, v2  }
0xb7: {  	[tilespmem:s16], [sflag:$0x1] =	stream.indirect_vreg.gather [hbm4b:s1+s3], $0x80, v4, vm0, $0xb8;
	[tilespmem:$0x1B100] =	vst v63  }
0xb8: {  	v3 =	vadd.s32 v1, v3  }
0xb9: {  	[tilespmem:s17], [sflag:$0x1] =	stream.indirect_vreg.gather [hbm4b:s4+s3], $0x80, v4, vm0, $0xb8;
	[tilespmem:$0x1B100] =	vst v63  }
0xba: {  	_ = 	snop  }
0xbb: {  	[tilespmem:s18], [sflag:$0x1] =	stream.indirect_vreg.gather [hbm4b:s5+s3], $0x80, v4, vm0, $0xb8;
	[tilespmem:$0x1B100] =	vst v63  }
0xbc: {  	_ = 	snop  }
0xbd: {  	[tilespmem:s19], [sflag:$0x1] =	stream.indirect_vreg.gather [hbm4b:s1+s3], $0x80, v3, vm0, $0xb8;
	[tilespmem:$0x1B100] =	vst v63  }
0xbe: {  	_ = 	snop  }
0xbf: {  	[tilespmem:s20], [sflag:$0x1] =	stream.indirect_vreg.gather [hbm4b:s4+s3], $0x80, v3, vm0, $0xb8;
	[tilespmem:$0x1B100] =	vst v63  }
0xc0: {  	_ = 	snop  }
0xc1: {  	[tilespmem:s21], [sflag:$0x1] =	stream.indirect_vreg.gather [hbm4b:s5+s3], $0x80, v3, vm0, $0xb8;
	[tilespmem:$0x1B100] =	vst v63  }
0xc2: {  	v3 =	vld [tilespmem:$0xB0];
	_ =	sdelay $0x4  }
0xc3: {  	v62 =	vshrl.u32 v3, $0x3  }
0xc4: {  	v4 =	vmul.u32 $0x30, v62  }
0xc5: {  	v3 =	vand.u32 $0x7, v3  }
0xc6: {  	v3 =	vor.u32 v3, v4  }
0xc7: {  	v4 =	vperm.xlane v3, v0;
	_ =	sdelay $0x1  }
0xc8: {  	v4 =	vadd.s32 v1, v4;
	_ =	sdelay $0x3  }
0xc9: {  	v3 =	vperm.xlane v3, v2  }
0xca: {  	[tilespmem:s22], [sflag:$0x1] =	stream.indirect_vreg.gather [hbm4b:s1+s3], $0x80, v4, vm0, $0xb8;
	[tilespmem:$0x1B100] =	vst v63  }
0xcb: {  	v3 =	vadd.s32 v1, v3  }
0xcc: {  	[tilespmem:s23], [sflag:$0x1] =	stream.indirect_vreg.gather [hbm4b:s4+s3], $0x80, v4, vm0, $0xb8;
	[tilespmem:$0x1B100] =	vst v63  }
0xcd: {  	_ = 	snop  }
0xce: {  	[tilespmem:s24], [sflag:$0x1] =	stream.indirect_vreg.gather [hbm4b:s5+s3], $0x80, v4, vm0, $0xb8;
	[tilespmem:$0x1B100] =	vst v63  }
0xcf: {  	_ = 	snop  }
0xd0: {  	[tilespmem:s25], [sflag:$0x1] =	stream.indirect_vreg.gather [hbm4b:s1+s3], $0x80, v3, vm0, $0xb8;
	[tilespmem:$0x1B100] =	vst v63  }
0xd1: {  	_ = 	snop  }
0xd2: {  	[tilespmem:s26], [sflag:$0x1] =	stream.indirect_vreg.gather [hbm4b:s4+s3], $0x80, v3, vm0, $0xb8;
	[tilespmem:$0x1B100] =	vst v63  }
0xd3: {  	_ = 	snop  }
0xd4: {  	[tilespmem:s28], [sflag:$0x1] =	stream.indirect_vreg.gather [hbm4b:s5+s3], $0x80, v3, vm0, $0xb8;
	[tilespmem:$0x1B100] =	vst v63  }
0xd5: {  	v3 =	vld.msk [tilespmem:$0xC0], $0xff;
	_ =	sdelay $0x4  }
0xd6: {  	v63 =	vshrl.u32 v3, $0x3  }
0xd7: {  	v4 =	vmul.u32 $0x30, v63  }
0xd8: {  	v3 =	vand.u32 $0x7, v3  }
0xd9: {  	v3 =	vor.u32 v3, v4  }
0xda: {  	v3 =	vperm.xlane v3, v0;
	_ =	sdelay $0x1  }
0xdb: {  	v3 =	vadd.s32 v1, v3;
	_ =	sdelay $0x4  }
0xdc: {  	[tilespmem:s29], [sflag:$0x1] =	stream.indirect_vreg.gather [hbm4b:s1+s3], $0x80, v3, vm0, $0xb8;
	[tilespmem:$0x1B100] =	vst v63  }
0xdd: {  	_ = 	snop  }
0xde: {  	[tilespmem:s30], [sflag:$0x1] =	stream.indirect_vreg.gather [hbm4b:s4+s3], $0x80, v3, vm0, $0xb8;
	[tilespmem:$0x1B100] =	vst v63  }
0xdf: {  	_ = 	snop  }
0xe0: {  	[tilespmem:s31], [sflag:$0x1] =	stream.indirect_vreg.gather [hbm4b:s5+s3], $0x80, v3, vm0, $0xb8;
	[tilespmem:$0x1B100] =	vst v63  }
0xe1: {  	_ =	swait.ge [sflag:s2], $0xD800  }
0xe2: {  	[sflag:s2] =	ssyncset.done $0x0  }
0xe3: {  	[sflag:s2] =	ssyncadd.s32 $0xFFFF2800  }
0xe4: {  	_ =	swait.ge [sflag:s2], $0xD800  }
0xe5: {  	p0 =	sne.s32 s6, $0x1;
	[sflag:s2] =	ssyncset.done $0x0  }
.Ltmp0:
0xe6: {  	s9 =	rddreg [dreg:$0x5];
	[sflag:s2] =	ssyncadd.s32 $0xFFFF2800;
	(pc) =	sbr.rel @p0 .LBB2_1-.Ltmp0, $4  }
0xe7: {  	[hbm4b:s9+s3] =	stream.linear.scatter [tilespmem:s8], [sflag:$0x2], $0x1B000, $0x38;
	[tilespmem:$0x1B100] =	vst v63  }
0xe8: {  	_ =	swait.ge [sflag:s7], $0x1B000  }
0xe9: {  	[sflag:s7] =	ssyncset.done $0x0  }
0xea: {  	s6 =	sadd.s32 $0xFFFFFFFF, s6;
	[sflag:s7] =	ssyncadd.s32 $0xFFFE5000  }
0xeb: {  	_ =	sfence.sel $0x180000  }
0xec: {  	[bflag:$0x0] =	sbarrier.arrive $0xFFFF  }
0xed: {  	_ =	strace $0x9000004A  }
0xee: {  	s0 =	stileid.u32;
	[bflag:$0x2] =	sbarrier.arrive $0xFFFF  }
0xef: {  	p0 =	sne.s32 s0, $0x0;
	s0 =	rddreg [dreg:$0x3]  }
0xf0: {  	s0 =	sadd.s32 @!p0 $0x100000, s0  }
0xf1: {  	[sflag:s0] =	ssyncadd.tile.s32 @!p0 $0x1;
	_ =	shalt  }
.Lfunc_end2:
_tile_overlayer_lowered:
.L_overlay_start_2:
0xf2: {  	(tag) =	ssettag $0x2  }
0xf3: {  	s0 =	rddreg [dreg:$0x0];
	s2 =	stileid.u32  }
0xf4: {  	s1 =	rddreg [dreg:$0x1];
	p0 =	sne.s32 s2, $0x0  }
0xf5: {  	s3 =	rddreg [dreg:$0x2];
	[bflag:$0x3] =	sbarrier.arrive $0xFFFF;
	s2 =	simm.s32 @!p0 $0x1C02  }
0xf6: {  	[timem:s3], [sflag:s2] =	dma.local @!p0 [hbm:s0], s1  }
0xf7: {  	s0 =	simm.s32 @!p0 $0x2  }
0xf8: {  	_ =	swait.ge @!p0 [sflag:s0], s1  }
0xf9: {  	s1 =	ssub.s32 @!p0 $0x0, s1;
	[sflag:s0] =	ssyncset.done @!p0 $0x0  }
0xfa: {  	[sflag:s0] =	ssyncadd.s32 @!p0 s1  }
0xfb: {  	[bflag:$0x3] =	sbarrier.arrive $0xFFFF  }
0xfc: {  	_ =	shalt  }

</sc_bundles>
